<compile_context>
chip_gen: v7x
topology: tpu7x:2x2x1
jax: 0.10.2.dev20260603
libtpu: 0.0.44.dev20260713+nightly
codegen_flags: <defaults>
</compile_context>

<pallas_src>
import jax
import jax.numpy as jnp
from jax import lax
from jax.experimental import pallas as pl
from jax.experimental.pallas import tpu as pltpu
from jax.experimental.pallas import tpu_sc as plsc

M = 2048
C = 56
NC, NS = 2, 16
MP = M + 16
DEPTH = 4


def _sc_segsum(Uold, gidx, sidx, n_chunks, n, d):

    def body(u_hbm, gidx_hbm, sidx_hbm, zeros_hbm, out_hbm,
             tab, acc, ig, isA, gb0, gb1, gb2, gb3,
             gs0, gs1, gs2, gs3, ss0, ss1, ss2, ss3):
        c = lax.axis_index("c")
        s = lax.axis_index("s")
        bufs = [gb0, gb1, gb2, gb3]
        gsems = [gs0, gs1, gs2, gs3]
        ssems = [ss0, ss1, ss2, ss3]

        rows_per_tile = M // NS

        pltpu.sync_copy(gidx_hbm.at[s], ig)
        pltpu.sync_copy(sidx_hbm.at[s], isA)

        tab_rows_per_tile = n // NS

        for j in range(2):
            pltpu.sync_copy(zeros_hbm, gb1)
            off = 0
            while off < rows_per_tile:
                blk = min(C, rows_per_tile - off)
                pltpu.sync_copy(gb1.at[pl.ds(0, blk)],
                                acc.at[pl.ds(s * rows_per_tile + off, blk)])
                off += blk

            @pl.when(s == NS - 1)
            def _zero_dummy():
                pltpu.sync_copy(gb1.at[pl.ds(0, 16)], acc.at[pl.ds(M, 16)])

            row0 = s * tab_rows_per_tile
            pltpu.sync_copy(u_hbm.at[2 * c + j, pl.ds(row0, tab_rows_per_tile)],
                            tab.at[pl.ds(row0, tab_rows_per_tile)])

            plsc.subcore_barrier()

            def start_gather(g, b):
                pltpu.async_copy(tab.at[ig.at[g]], bufs[b], gsems[b])

            def wait_gather(g, b):
                pltpu.make_async_copy(tab.at[ig.at[g]], bufs[b], gsems[b]).wait()

            def start_scatter(g, b):
                pltpu.async_copy(bufs[b], acc.at[isA.at[g]], ssems[b], add=True)

            def wait_scatter(g, b):
                pltpu.make_async_copy(
                    bufs[b], acc.at[isA.at[g]], ssems[b]).wait()

            start_gather(0, 0)
            start_gather(1, 1)
            for g in range(4):
                wait_gather(g, g % 4)
                start_scatter(g, g % 4)
                h = g + 2
                if h >= 4:
                    wait_scatter(h - 4, h % 4)
                start_gather(h, h % 4)

            def outer(u, carry):
                g0 = 4 * u + 4
                for k in range(4):
                    g = g0 + k
                    wait_gather(g, k)
                    start_scatter(g, k)
                    hk = (k + 2) % 4

                    @pl.when(g + 2 < n_chunks)
                    def _():
                        wait_scatter(g - 2, hk)
                        start_gather(g + 2, hk)

                return carry

            lax.fori_loop(0, (n_chunks - 4) // 4, outer, 0)

            for k in range(4):
                wait_scatter(n_chunks - 4 + k, k)

            plsc.subcore_barrier()

            row0 = s * rows_per_tile
            pltpu.sync_copy(acc.at[pl.ds(row0, rows_per_tile)],
                            out_hbm.at[c, j, pl.ds(row0, rows_per_tile)])

    fn = pl.kernel(
        body,
        out_type=jax.ShapeDtypeStruct((NC, 2, M, d), jnp.float32),
        mesh=plsc.VectorSubcoreMesh(core_axis_name="c", subcore_axis_name="s"),
        scratch_types=[
            pltpu.VMEM_SHARED((n, d), jnp.float32),
            pltpu.VMEM_SHARED((MP, d), jnp.float32),
            pltpu.VMEM((n_chunks, C), jnp.int32),
            pltpu.VMEM((n_chunks, C), jnp.int32),
            pltpu.VMEM((C, d), jnp.float32),
            pltpu.VMEM((C, d), jnp.float32),
            pltpu.VMEM((C, d), jnp.float32),
            pltpu.VMEM((C, d), jnp.float32),
            pltpu.SemaphoreType.DMA,
            pltpu.SemaphoreType.DMA,
            pltpu.SemaphoreType.DMA,
            pltpu.SemaphoreType.DMA,
            pltpu.SemaphoreType.DMA,
            pltpu.SemaphoreType.DMA,
            pltpu.SemaphoreType.DMA,
            pltpu.SemaphoreType.DMA,
        ],
    )
    return fn(Uold, gidx, sidx, jnp.zeros((C, d), jnp.float32))


def kernel(Uold, src, dst):
    b, n, d = Uold.shape
    e = src.shape[0]

    gran = 4 * NS * C
    e_pad = ((e + gran - 1) // gran) * gran
    n_chunks = e_pad // (NS * C)
    pad = e_pad - e
    src_p = jnp.concatenate([src, jnp.zeros((pad,), jnp.int32)])
    dst_p = jnp.concatenate([dst, jnp.full((pad,), M, jnp.int32)])

    gidx = src_p.reshape(NS, n_chunks, C)
    sidx = dst_p.reshape(NS, n_chunks, C)

    out4 = _sc_segsum(Uold, gidx, sidx, n_chunks, n, d)
    return out4.reshape(b, M, d)

# --- scband reference (transcript-rebuilt; emitter-appended) ---
"""Pipeline reference for scband-mfpool-layer-16363825397838 (READ-ONLY COPY).

The authoritative reference and input builder live on the scoring server;
editing this copy changes nothing except your own understanding.
"""

import jax, jax.numpy as jnp
import numpy as np

N = 8192   # fine points (rows of x)
M = 2048   # coarse points (rows of x2) == output_dim
EPS = 0.035355
B = 4      # batch
D = 128    # feature dim


def setup_inputs(seed: int = 0) -> dict:
    rng = np.random.default_rng(0)
    x = rng.random((N, 2), dtype=np.float32)
    x2 = rng.random((M, 2), dtype=np.float32)
    # KDTree query_ball_point equivalent: all fine points within eps of each coarse point
    d2 = ((x2[:, None, :] - x[None, :, :]) ** 2).sum(-1)
    dst, src = np.nonzero(d2 <= EPS * EPS)  # dst: coarse idx (sorted), src: fine idx
    key = jax.random.key(seed)
    Uold = jax.random.normal(key, (B, N, D), dtype=jnp.float32)
    return {
        "Uold": Uold,
        "src": jnp.asarray(src, dtype=jnp.int32),
        "dst": jnp.asarray(dst, dtype=jnp.int32),
    }


def reference(Uold, src, dst):
    # MFPoolLayer.call: for each coarse point i, reduce_op over the fine-point
    # feature rows Uold[..., j, :] for j in x_xold[i], stacked on axis -2.
    # With reduce_op = tf.math.reduce_sum this is a gather + segment-sum.
    g = jnp.take(Uold, src, axis=1)          # [B, E, D] gather neighbor features
    g = jnp.swapaxes(g, 0, 1)                # [E, B, D] segment axis first
    out = jax.ops.segment_sum(g, dst, num_segments=M)  # [M, B, D]
    return jnp.swapaxes(out, 0, 1)           # [B, M, D]

if __name__ == "__main__":
    import jax
    _d = setup_inputs()
    print(jax.jit(kernel)(*tuple(_d.values())))

</pallas_src>

<mosaic_0001>
#map = affine_map<(d0, d1) -> (0, 0, 0)>
#map1 = affine_map<(d0, d1) -> (0, 0)>
#map2 = affine_map<(d0, d1) -> (0, 0, 0, 0)>
module attributes {stable_mosaic.version = 14 : i64} {
  func.func @body(%arg0: i32, %arg1: i32, %arg2: memref<4x8192x128xf32, #tpu.memory_space<hbm>>, %arg3: memref<16x72x56xi32, #tpu.memory_space<hbm>>, %arg4: memref<16x72x56xi32, #tpu.memory_space<hbm>>, %arg5: memref<56x128xf32, #tpu.memory_space<hbm>>, %arg6: memref<2x2x2048x128xf32, #tpu.memory_space<hbm>>, %arg7: memref<8192x128xf32, #tpu.memory_space<vmem_shared>>, %arg8: memref<2064x128xf32, #tpu.memory_space<vmem_shared>>, %arg9: memref<72x56xi32, #tpu.memory_space<vmem>>, %arg10: memref<72x56xi32, #tpu.memory_space<vmem>>, %arg11: memref<56x128xf32, #tpu.memory_space<vmem>>, %arg12: memref<56x128xf32, #tpu.memory_space<vmem>>, %arg13: memref<56x128xf32, #tpu.memory_space<vmem>>, %arg14: memref<56x128xf32, #tpu.memory_space<vmem>>, %arg15: memref<!tpu.dma_semaphore, #tpu.memory_space<semaphore_mem>>, %arg16: memref<!tpu.dma_semaphore, #tpu.memory_space<semaphore_mem>>, %arg17: memref<!tpu.dma_semaphore, #tpu.memory_space<semaphore_mem>>, %arg18: memref<!tpu.dma_semaphore, #tpu.memory_space<semaphore_mem>>, %arg19: memref<!tpu.dma_semaphore, #tpu.memory_space<semaphore_mem>>, %arg20: memref<!tpu.dma_semaphore, #tpu.memory_space<semaphore_mem>>, %arg21: memref<!tpu.dma_semaphore, #tpu.memory_space<semaphore_mem>>, %arg22: memref<!tpu.dma_semaphore, #tpu.memory_space<semaphore_mem>>) attributes {dimension_semantics = [#tpu.dimension_semantics<core_parallel>, #tpu.dimension_semantics<subcore_parallel>], iteration_bounds = array<i64: 2, 16>, scalar_prefetch = 0 : i64, scratch_operands = 16 : i64, tpu.core_type = #tpu.core_type<sc_vector_subcore>, window_params = [{transform_indices = #map}, {transform_indices = #map}, {transform_indices = #map}, {transform_indices = #map1}, {transform_indices = #map2}]} {
    "tpu.region"() ({
      %run_scoped3A_338 = tpu.sem_alloc : memref<!tpu.dma_semaphore, #tpu.memory_space<semaphore_mem>>
      %dma_start3A_339 = arith.constant 0 : i32
      %dma_start3A_340 = arith.constant 0 : i32
      %dma_start3A_341 = tpu.memref_slice %arg3[%arg1, %dma_start3A_339, %dma_start3A_340] : memref<16x72x56xi32, #tpu.memory_space<hbm>> -> memref<1x72x56xi32, #tpu.memory_space<hbm>>
      %dma_start3A_342 = tpu.memref_squeeze %dma_start3A_341 : memref<1x72x56xi32, #tpu.memory_space<hbm>> -> memref<72x56xi32, #tpu.memory_space<hbm>>
      %dma_start3A_343 = arith.constant 0 : i32
      %dma_start3A_344 = arith.constant 0 : i32
      %dma_start3A_345 = tpu.memref_slice %arg3[%arg1, %dma_start3A_343, %dma_start3A_344] : memref<16x72x56xi32, #tpu.memory_space<hbm>> -> memref<1x72x56xi32, #tpu.memory_space<hbm>>
      %dma_start3A_346 = tpu.memref_squeeze %dma_start3A_345 : memref<1x72x56xi32, #tpu.memory_space<hbm>> -> memref<72x56xi32, #tpu.memory_space<hbm>>
      tpu.enqueue_dma source(%dma_start3A_346 : memref<72x56xi32, #tpu.memory_space<hbm>>) target(%arg9 : memref<72x56xi32, #tpu.memory_space<vmem>>) target_semaphore(%run_scoped3A_338 : memref<!tpu.dma_semaphore, #tpu.memory_space<semaphore_mem>>)
      %dma_wait3A_347 = arith.constant 0 : i32
      %dma_wait3A_348 = arith.constant 0 : i32
      %dma_wait3A_349 = tpu.memref_slice %arg3[%arg1, %dma_wait3A_347, %dma_wait3A_348] : memref<16x72x56xi32, #tpu.memory_space<hbm>> -> memref<1x72x56xi32, #tpu.memory_space<hbm>>
      %dma_wait3A_350 = tpu.memref_squeeze %dma_wait3A_349 : memref<1x72x56xi32, #tpu.memory_space<hbm>> -> memref<72x56xi32, #tpu.memory_space<hbm>>
      %dma_wait3A_351 = arith.constant 0 : i32
      %dma_wait3A_352 = arith.constant 0 : i32
      %dma_wait3A_353 = tpu.memref_slice %arg3[%arg1, %dma_wait3A_351, %dma_wait3A_352] : memref<16x72x56xi32, #tpu.memory_space<hbm>> -> memref<1x72x56xi32, #tpu.memory_space<hbm>>
      %dma_wait3A_354 = tpu.memref_squeeze %dma_wait3A_353 : memref<1x72x56xi32, #tpu.memory_space<hbm>> -> memref<72x56xi32, #tpu.memory_space<hbm>>
      tpu.wait_dma2 semaphore(%run_scoped3A_338 : memref<!tpu.dma_semaphore, #tpu.memory_space<semaphore_mem>>) src(%dma_wait3A_354 : memref<72x56xi32, #tpu.memory_space<hbm>>) dst(%arg9 : memref<72x56xi32, #tpu.memory_space<vmem>>)
      tpu.yield
    }) : () -> ()
    "tpu.region"() ({
      %run_scoped3A_338 = tpu.sem_alloc : memref<!tpu.dma_semaphore, #tpu.memory_space<semaphore_mem>>
      %dma_start3A_339 = arith.constant 0 : i32
      %dma_start3A_340 = arith.constant 0 : i32
      %dma_start3A_341 = tpu.memref_slice %arg4[%arg1, %dma_start3A_339, %dma_start3A_340] : memref<16x72x56xi32, #tpu.memory_space<hbm>> -> memref<1x72x56xi32, #tpu.memory_space<hbm>>
      %dma_start3A_342 = tpu.memref_squeeze %dma_start3A_341 : memref<1x72x56xi32, #tpu.memory_space<hbm>> -> memref<72x56xi32, #tpu.memory_space<hbm>>
      %dma_start3A_343 = arith.constant 0 : i32
      %dma_start3A_344 = arith.constant 0 : i32
      %dma_start3A_345 = tpu.memref_slice %arg4[%arg1, %dma_start3A_343, %dma_start3A_344] : memref<16x72x56xi32, #tpu.memory_space<hbm>> -> memref<1x72x56xi32, #tpu.memory_space<hbm>>
      %dma_start3A_346 = tpu.memref_squeeze %dma_start3A_345 : memref<1x72x56xi32, #tpu.memory_space<hbm>> -> memref<72x56xi32, #tpu.memory_space<hbm>>
      tpu.enqueue_dma source(%dma_start3A_346 : memref<72x56xi32, #tpu.memory_space<hbm>>) target(%arg10 : memref<72x56xi32, #tpu.memory_space<vmem>>) target_semaphore(%run_scoped3A_338 : memref<!tpu.dma_semaphore, #tpu.memory_space<semaphore_mem>>)
      %dma_wait3A_347 = arith.constant 0 : i32
      %dma_wait3A_348 = arith.constant 0 : i32
      %dma_wait3A_349 = tpu.memref_slice %arg4[%arg1, %dma_wait3A_347, %dma_wait3A_348] : memref<16x72x56xi32, #tpu.memory_space<hbm>> -> memref<1x72x56xi32, #tpu.memory_space<hbm>>
      %dma_wait3A_350 = tpu.memref_squeeze %dma_wait3A_349 : memref<1x72x56xi32, #tpu.memory_space<hbm>> -> memref<72x56xi32, #tpu.memory_space<hbm>>
      %dma_wait3A_351 = arith.constant 0 : i32
      %dma_wait3A_352 = arith.constant 0 : i32
      %dma_wait3A_353 = tpu.memref_slice %arg4[%arg1, %dma_wait3A_351, %dma_wait3A_352] : memref<16x72x56xi32, #tpu.memory_space<hbm>> -> memref<1x72x56xi32, #tpu.memory_space<hbm>>
      %dma_wait3A_354 = tpu.memref_squeeze %dma_wait3A_353 : memref<1x72x56xi32, #tpu.memory_space<hbm>> -> memref<72x56xi32, #tpu.memory_space<hbm>>
      tpu.wait_dma2 semaphore(%run_scoped3A_338 : memref<!tpu.dma_semaphore, #tpu.memory_space<semaphore_mem>>) src(%dma_wait3A_354 : memref<72x56xi32, #tpu.memory_space<hbm>>) dst(%arg10 : memref<72x56xi32, #tpu.memory_space<vmem>>)
      tpu.yield
    }) : () -> ()
    "tpu.region"() ({
      %run_scoped3A_338 = tpu.sem_alloc : memref<!tpu.dma_semaphore, #tpu.memory_space<semaphore_mem>>
      tpu.enqueue_dma source(%arg5 : memref<56x128xf32, #tpu.memory_space<hbm>>) target(%arg12 : memref<56x128xf32, #tpu.memory_space<vmem>>) target_semaphore(%run_scoped3A_338 : memref<!tpu.dma_semaphore, #tpu.memory_space<semaphore_mem>>)
      tpu.wait_dma2 semaphore(%run_scoped3A_338 : memref<!tpu.dma_semaphore, #tpu.memory_space<semaphore_mem>>) src(%arg5 : memref<56x128xf32, #tpu.memory_space<hbm>>) dst(%arg12 : memref<56x128xf32, #tpu.memory_space<vmem>>)
      tpu.yield
    }) : () -> ()
    %mul3A = arith.constant 128 : i32
    %mul3A_0 = arith.muli %arg1, %mul3A : i32
    %add3A = arith.constant 0 : i32
    %add3A_1 = arith.addi %mul3A_0, %add3A : i32
    "tpu.region"() ({
      %run_scoped3A_338 = tpu.sem_alloc : memref<!tpu.dma_semaphore, #tpu.memory_space<semaphore_mem>>
      %dma_start3A_339 = arith.constant 0 : i32
      %dma_start3A_340 = arith.constant 0 : i32
      %dma_start3A_341 = tpu.memref_slice %arg12[%dma_start3A_339, %dma_start3A_340] : memref<56x128xf32, #tpu.memory_space<vmem>> -> memref<56x128xf32, #tpu.memory_space<vmem>>
      %dma_start3A_342 = arith.constant 0 : i32
      %dma_start3A_343 = tpu.memref_slice %arg8[%add3A_1, %dma_start3A_342] : memref<2064x128xf32, #tpu.memory_space<vmem_shared>> -> memref<56x128xf32, #tpu.memory_space<vmem_shared>>
      %dma_start3A_344 = arith.constant 0 : i32
      %dma_start3A_345 = tpu.memref_slice %arg8[%add3A_1, %dma_start3A_344] : memref<2064x128xf32, #tpu.memory_space<vmem_shared>> -> memref<56x128xf32, #tpu.memory_space<vmem_shared>>
      %dma_start3A_346 = arith.constant 0 : i32
      %dma_start3A_347 = arith.constant 0 : i32
      %dma_start3A_348 = tpu.memref_slice %arg12[%dma_start3A_346, %dma_start3A_347] : memref<56x128xf32, #tpu.memory_space<vmem>> -> memref<56x128xf32, #tpu.memory_space<vmem>>
      tpu.enqueue_dma source(%dma_start3A_348 : memref<56x128xf32, #tpu.memory_space<vmem>>) target(%dma_start3A_345 : memref<56x128xf32, #tpu.memory_space<vmem_shared>>) target_semaphore(%run_scoped3A_338 : memref<!tpu.dma_semaphore, #tpu.memory_space<semaphore_mem>>)
      %dma_wait3A_349 = arith.constant 0 : i32
      %dma_wait3A_350 = arith.constant 0 : i32
      %dma_wait3A_351 = tpu.memref_slice %arg12[%dma_wait3A_349, %dma_wait3A_350] : memref<56x128xf32, #tpu.memory_space<vmem>> -> memref<56x128xf32, #tpu.memory_space<vmem>>
      %dma_wait3A_352 = arith.constant 0 : i32
      %dma_wait3A_353 = tpu.memref_slice %arg8[%add3A_1, %dma_wait3A_352] : memref<2064x128xf32, #tpu.memory_space<vmem_shared>> -> memref<56x128xf32, #tpu.memory_space<vmem_shared>>
      %dma_wait3A_354 = arith.constant 0 : i32
      %dma_wait3A_355 = tpu.memref_slice %arg8[%add3A_1, %dma_wait3A_354] : memref<2064x128xf32, #tpu.memory_space<vmem_shared>> -> memref<56x128xf32, #tpu.memory_space<vmem_shared>>
      %dma_wait3A_356 = arith.constant 0 : i32
      %dma_wait3A_357 = arith.constant 0 : i32
      %dma_wait3A_358 = tpu.memref_slice %arg12[%dma_wait3A_356, %dma_wait3A_357] : memref<56x128xf32, #tpu.memory_space<vmem>> -> memref<56x128xf32, #tpu.memory_space<vmem>>
      tpu.wait_dma2 semaphore(%run_scoped3A_338 : memref<!tpu.dma_semaphore, #tpu.memory_space<semaphore_mem>>) src(%dma_wait3A_358 : memref<56x128xf32, #tpu.memory_space<vmem>>) dst(%dma_wait3A_355 : memref<56x128xf32, #tpu.memory_space<vmem_shared>>)
      tpu.yield
    }) : () -> ()
    %mul3A_2 = arith.constant 128 : i32
    %mul3A_3 = arith.muli %arg1, %mul3A_2 : i32
    %add3A_4 = arith.constant 56 : i32
    %add3A_5 = arith.addi %mul3A_3, %add3A_4 : i32
    "tpu.region"() ({
      %run_scoped3A_338 = tpu.sem_alloc : memref<!tpu.dma_semaphore, #tpu.memory_space<semaphore_mem>>
      %dma_start3A_339 = arith.constant 0 : i32
      %dma_start3A_340 = arith.constant 0 : i32
      %dma_start3A_341 = tpu.memref_slice %arg12[%dma_start3A_339, %dma_start3A_340] : memref<56x128xf32, #tpu.memory_space<vmem>> -> memref<56x128xf32, #tpu.memory_space<vmem>>
      %dma_start3A_342 = arith.constant 0 : i32
      %dma_start3A_343 = tpu.memref_slice %arg8[%add3A_5, %dma_start3A_342] : memref<2064x128xf32, #tpu.memory_space<vmem_shared>> -> memref<56x128xf32, #tpu.memory_space<vmem_shared>>
      %dma_start3A_344 = arith.constant 0 : i32
      %dma_start3A_345 = tpu.memref_slice %arg8[%add3A_5, %dma_start3A_344] : memref<2064x128xf32, #tpu.memory_space<vmem_shared>> -> memref<56x128xf32, #tpu.memory_space<vmem_shared>>
      %dma_start3A_346 = arith.constant 0 : i32
      %dma_start3A_347 = arith.constant 0 : i32
      %dma_start3A_348 = tpu.memref_slice %arg12[%dma_start3A_346, %dma_start3A_347] : memref<56x128xf32, #tpu.memory_space<vmem>> -> memref<56x128xf32, #tpu.memory_space<vmem>>
      tpu.enqueue_dma source(%dma_start3A_348 : memref<56x128xf32, #tpu.memory_space<vmem>>) target(%dma_start3A_345 : memref<56x128xf32, #tpu.memory_space<vmem_shared>>) target_semaphore(%run_scoped3A_338 : memref<!tpu.dma_semaphore, #tpu.memory_space<semaphore_mem>>)
      %dma_wait3A_349 = arith.constant 0 : i32
      %dma_wait3A_350 = arith.constant 0 : i32
      %dma_wait3A_351 = tpu.memref_slice %arg12[%dma_wait3A_349, %dma_wait3A_350] : memref<56x128xf32, #tpu.memory_space<vmem>> -> memref<56x128xf32, #tpu.memory_space<vmem>>
      %dma_wait3A_352 = arith.constant 0 : i32
      %dma_wait3A_353 = tpu.memref_slice %arg8[%add3A_5, %dma_wait3A_352] : memref<2064x128xf32, #tpu.memory_space<vmem_shared>> -> memref<56x128xf32, #tpu.memory_space<vmem_shared>>
      %dma_wait3A_354 = arith.constant 0 : i32
      %dma_wait3A_355 = tpu.memref_slice %arg8[%add3A_5, %dma_wait3A_354] : memref<2064x128xf32, #tpu.memory_space<vmem_shared>> -> memref<56x128xf32, #tpu.memory_space<vmem_shared>>
      %dma_wait3A_356 = arith.constant 0 : i32
      %dma_wait3A_357 = arith.constant 0 : i32
      %dma_wait3A_358 = tpu.memref_slice %arg12[%dma_wait3A_356, %dma_wait3A_357] : memref<56x128xf32, #tpu.memory_space<vmem>> -> memref<56x128xf32, #tpu.memory_space<vmem>>
      tpu.wait_dma2 semaphore(%run_scoped3A_338 : memref<!tpu.dma_semaphore, #tpu.memory_space<semaphore_mem>>) src(%dma_wait3A_358 : memref<56x128xf32, #tpu.memory_space<vmem>>) dst(%dma_wait3A_355 : memref<56x128xf32, #tpu.memory_space<vmem_shared>>)
      tpu.yield
    }) : () -> ()
    %mul3A_6 = arith.constant 128 : i32
    %mul3A_7 = arith.muli %arg1, %mul3A_6 : i32
    %add3A_8 = arith.constant 112 : i32
    %add3A_9 = arith.addi %mul3A_7, %add3A_8 : i32
    "tpu.region"() ({
      %run_scoped3A_338 = tpu.sem_alloc : memref<!tpu.dma_semaphore, #tpu.memory_space<semaphore_mem>>
      %dma_start3A_339 = arith.constant 0 : i32
      %dma_start3A_340 = arith.constant 0 : i32
      %dma_start3A_341 = tpu.memref_slice %arg12[%dma_start3A_339, %dma_start3A_340] : memref<56x128xf32, #tpu.memory_space<vmem>> -> memref<16x128xf32, #tpu.memory_space<vmem>>
      %dma_start3A_342 = arith.constant 0 : i32
      %dma_start3A_343 = tpu.memref_slice %arg8[%add3A_9, %dma_start3A_342] : memref<2064x128xf32, #tpu.memory_space<vmem_shared>> -> memref<16x128xf32, #tpu.memory_space<vmem_shared>>
      %dma_start3A_344 = arith.constant 0 : i32
      %dma_start3A_345 = tpu.memref_slice %arg8[%add3A_9, %dma_start3A_344] : memref<2064x128xf32, #tpu.memory_space<vmem_shared>> -> memref<16x128xf32, #tpu.memory_space<vmem_shared>>
      %dma_start3A_346 = arith.constant 0 : i32
      %dma_start3A_347 = arith.constant 0 : i32
      %dma_start3A_348 = tpu.memref_slice %arg12[%dma_start3A_346, %dma_start3A_347] : memref<56x128xf32, #tpu.memory_space<vmem>> -> memref<16x128xf32, #tpu.memory_space<vmem>>
      tpu.enqueue_dma source(%dma_start3A_348 : memref<16x128xf32, #tpu.memory_space<vmem>>) target(%dma_start3A_345 : memref<16x128xf32, #tpu.memory_space<vmem_shared>>) target_semaphore(%run_scoped3A_338 : memref<!tpu.dma_semaphore, #tpu.memory_space<semaphore_mem>>)
      %dma_wait3A_349 = arith.constant 0 : i32
      %dma_wait3A_350 = arith.constant 0 : i32
      %dma_wait3A_351 = tpu.memref_slice %arg12[%dma_wait3A_349, %dma_wait3A_350] : memref<56x128xf32, #tpu.memory_space<vmem>> -> memref<16x128xf32, #tpu.memory_space<vmem>>
      %dma_wait3A_352 = arith.constant 0 : i32
      %dma_wait3A_353 = tpu.memref_slice %arg8[%add3A_9, %dma_wait3A_352] : memref<2064x128xf32, #tpu.memory_space<vmem_shared>> -> memref<16x128xf32, #tpu.memory_space<vmem_shared>>
      %dma_wait3A_354 = arith.constant 0 : i32
      %dma_wait3A_355 = tpu.memref_slice %arg8[%add3A_9, %dma_wait3A_354] : memref<2064x128xf32, #tpu.memory_space<vmem_shared>> -> memref<16x128xf32, #tpu.memory_space<vmem_shared>>
      %dma_wait3A_356 = arith.constant 0 : i32
      %dma_wait3A_357 = arith.constant 0 : i32
      %dma_wait3A_358 = tpu.memref_slice %arg12[%dma_wait3A_356, %dma_wait3A_357] : memref<56x128xf32, #tpu.memory_space<vmem>> -> memref<16x128xf32, #tpu.memory_space<vmem>>
      tpu.wait_dma2 semaphore(%run_scoped3A_338 : memref<!tpu.dma_semaphore, #tpu.memory_space<semaphore_mem>>) src(%dma_wait3A_358 : memref<16x128xf32, #tpu.memory_space<vmem>>) dst(%dma_wait3A_355 : memref<16x128xf32, #tpu.memory_space<vmem_shared>>)
      tpu.yield
    }) : () -> ()
    %eq3A = arith.constant 15 : i32
    %eq3A_10 = arith.cmpi eq, %arg1, %eq3A : i32
    %convert_element_type3A = arith.extui %eq3A_10 : i1 to i32
    %cond3A = arith.constant 0 : i32
    %cond3A_11 = arith.cmpi ne, %convert_element_type3A, %cond3A : i32
    scf.if %cond3A_11 {
      "tpu.region"() ({
        %run_scoped3A_338 = tpu.sem_alloc : memref<!tpu.dma_semaphore, #tpu.memory_space<semaphore_mem>>
        %dma_start3A_339 = arith.constant 0 : i32
        %dma_start3A_340 = arith.constant 0 : i32
        %dma_start3A_341 = tpu.memref_slice %arg12[%dma_start3A_339, %dma_start3A_340] : memref<56x128xf32, #tpu.memory_space<vmem>> -> memref<16x128xf32, #tpu.memory_space<vmem>>
        %dma_start3A_342 = arith.constant 2048 : i32
        %dma_start3A_343 = arith.constant 0 : i32
        %dma_start3A_344 = tpu.memref_slice %arg8[%dma_start3A_342, %dma_start3A_343] : memref<2064x128xf32, #tpu.memory_space<vmem_shared>> -> memref<16x128xf32, #tpu.memory_space<vmem_shared>>
        %dma_start3A_345 = arith.constant 2048 : i32
        %dma_start3A_346 = arith.constant 0 : i32
        %dma_start3A_347 = tpu.memref_slice %arg8[%dma_start3A_345, %dma_start3A_346] : memref<2064x128xf32, #tpu.memory_space<vmem_shared>> -> memref<16x128xf32, #tpu.memory_space<vmem_shared>>
        %dma_start3A_348 = arith.constant 0 : i32
        %dma_start3A_349 = arith.constant 0 : i32
        %dma_start3A_350 = tpu.memref_slice %arg12[%dma_start3A_348, %dma_start3A_349] : memref<56x128xf32, #tpu.memory_space<vmem>> -> memref<16x128xf32, #tpu.memory_space<vmem>>
        tpu.enqueue_dma source(%dma_start3A_350 : memref<16x128xf32, #tpu.memory_space<vmem>>) target(%dma_start3A_347 : memref<16x128xf32, #tpu.memory_space<vmem_shared>>) target_semaphore(%run_scoped3A_338 : memref<!tpu.dma_semaphore, #tpu.memory_space<semaphore_mem>>)
        %dma_wait3A_351 = arith.constant 0 : i32
        %dma_wait3A_352 = arith.constant 0 : i32
        %dma_wait3A_353 = tpu.memref_slice %arg12[%dma_wait3A_351, %dma_wait3A_352] : memref<56x128xf32, #tpu.memory_space<vmem>> -> memref<16x128xf32, #tpu.memory_space<vmem>>
        %dma_wait3A_354 = arith.constant 2048 : i32
        %dma_wait3A_355 = arith.constant 0 : i32
        %dma_wait3A_356 = tpu.memref_slice %arg8[%dma_wait3A_354, %dma_wait3A_355] : memref<2064x128xf32, #tpu.memory_space<vmem_shared>> -> memref<16x128xf32, #tpu.memory_space<vmem_shared>>
        %dma_wait3A_357 = arith.constant 2048 : i32
        %dma_wait3A_358 = arith.constant 0 : i32
        %dma_wait3A_359 = tpu.memref_slice %arg8[%dma_wait3A_357, %dma_wait3A_358] : memref<2064x128xf32, #tpu.memory_space<vmem_shared>> -> memref<16x128xf32, #tpu.memory_space<vmem_shared>>
        %dma_wait3A_360 = arith.constant 0 : i32
        %dma_wait3A_361 = arith.constant 0 : i32
        %dma_wait3A_362 = tpu.memref_slice %arg12[%dma_wait3A_360, %dma_wait3A_361] : memref<56x128xf32, #tpu.memory_space<vmem>> -> memref<16x128xf32, #tpu.memory_space<vmem>>
        tpu.wait_dma2 semaphore(%run_scoped3A_338 : memref<!tpu.dma_semaphore, #tpu.memory_space<semaphore_mem>>) src(%dma_wait3A_362 : memref<16x128xf32, #tpu.memory_space<vmem>>) dst(%dma_wait3A_359 : memref<16x128xf32, #tpu.memory_space<vmem_shared>>)
        tpu.yield
      }) : () -> ()
    } else {
    }
    %mul3A_12 = arith.constant 512 : i32
    %mul3A_13 = arith.muli %arg1, %mul3A_12 : i32
    %mul3A_14 = arith.constant 2 : i32
    %mul3A_15 = arith.muli %mul3A_14, %arg0 : i32
    %add3A_16 = arith.constant 0 : i32
    %add3A_17 = arith.addi %mul3A_15, %add3A_16 : i32
    "tpu.region"() ({
      %run_scoped3A_338 = tpu.sem_alloc : memref<!tpu.dma_semaphore, #tpu.memory_space<semaphore_mem>>
      %dma_start3A_339 = arith.constant 0 : i32
      %dma_start3A_340 = tpu.memref_slice %arg7[%mul3A_13, %dma_start3A_339] : memref<8192x128xf32, #tpu.memory_space<vmem_shared>> -> memref<512x128xf32, #tpu.memory_space<vmem_shared>>
      %dma_start3A_341 = arith.constant 0 : i32
      %dma_start3A_342 = tpu.memref_slice %arg2[%add3A_17, %mul3A_13, %dma_start3A_341] : memref<4x8192x128xf32, #tpu.memory_space<hbm>> -> memref<1x512x128xf32, #tpu.memory_space<hbm>>
      %dma_start3A_343 = tpu.memref_squeeze %dma_start3A_342 : memref<1x512x128xf32, #tpu.memory_space<hbm>> -> memref<512x128xf32, #tpu.memory_space<hbm>>
      tpu.enqueue_dma source(%dma_start3A_343 : memref<512x128xf32, #tpu.memory_space<hbm>>) target(%dma_start3A_340 : memref<512x128xf32, #tpu.memory_space<vmem_shared>>) target_semaphore(%run_scoped3A_338 : memref<!tpu.dma_semaphore, #tpu.memory_space<semaphore_mem>>)
      %dma_wait3A_344 = arith.constant 0 : i32
      %dma_wait3A_345 = tpu.memref_slice %arg7[%mul3A_13, %dma_wait3A_344] : memref<8192x128xf32, #tpu.memory_space<vmem_shared>> -> memref<512x128xf32, #tpu.memory_space<vmem_shared>>
      %dma_wait3A_346 = arith.constant 0 : i32
      %dma_wait3A_347 = tpu.memref_slice %arg2[%add3A_17, %mul3A_13, %dma_wait3A_346] : memref<4x8192x128xf32, #tpu.memory_space<hbm>> -> memref<1x512x128xf32, #tpu.memory_space<hbm>>
      %dma_wait3A_348 = tpu.memref_squeeze %dma_wait3A_347 : memref<1x512x128xf32, #tpu.memory_space<hbm>> -> memref<512x128xf32, #tpu.memory_space<hbm>>
      tpu.wait_dma2 semaphore(%run_scoped3A_338 : memref<!tpu.dma_semaphore, #tpu.memory_space<semaphore_mem>>) src(%dma_wait3A_348 : memref<512x128xf32, #tpu.memory_space<hbm>>) dst(%dma_wait3A_345 : memref<512x128xf32, #tpu.memory_space<vmem_shared>>)
      tpu.yield
    }) : () -> ()
    %barrier3A = arith.constant 0 : index
    tpu.barrier barrier_id(%barrier3A)
    %dma_start3A = arith.constant 0 : i32
    %dma_start3A_18 = arith.constant 0 : i32
    %dma_start3A_19 = tpu.memref_slice %arg9[%dma_start3A, %dma_start3A_18] : memref<72x56xi32, #tpu.memory_space<vmem>> -> memref<1x56xi32, #tpu.memory_space<vmem>>
    %dma_start3A_20 = tpu.memref_squeeze %dma_start3A_19 : memref<1x56xi32, #tpu.memory_space<vmem>> -> memref<56xi32, #tpu.memory_space<vmem>>
    %dma_start3A_21 = arith.constant 0 : i32
    %dma_start3A_22 = arith.constant 0 : i32
    %dma_start3A_23 = tpu.memref_slice %arg7[%dma_start3A_21, %dma_start3A_22] : memref<8192x128xf32, #tpu.memory_space<vmem_shared>> -> memref<8192x128xf32, #tpu.memory_space<vmem_shared>>
    tpu.enqueue_indirect_dma source(%dma_start3A_23 : memref<8192x128xf32, #tpu.memory_space<vmem_shared>>) target(%arg11 : memref<56x128xf32, #tpu.memory_space<vmem>>) offsets(%dma_start3A_20 : memref<56xi32, #tpu.memory_space<vmem>>) semaphore(%arg15 : memref<!tpu.dma_semaphore, #tpu.memory_space<semaphore_mem>>)
    %dma_start3A_24 = arith.constant 1 : i32
    %dma_start3A_25 = arith.constant 0 : i32
    %dma_start3A_26 = tpu.memref_slice %arg9[%dma_start3A_24, %dma_start3A_25] : memref<72x56xi32, #tpu.memory_space<vmem>> -> memref<1x56xi32, #tpu.memory_space<vmem>>
    %dma_start3A_27 = tpu.memref_squeeze %dma_start3A_26 : memref<1x56xi32, #tpu.memory_space<vmem>> -> memref<56xi32, #tpu.memory_space<vmem>>
    %dma_start3A_28 = arith.constant 0 : i32
    %dma_start3A_29 = arith.constant 0 : i32
    %dma_start3A_30 = tpu.memref_slice %arg7[%dma_start3A_28, %dma_start3A_29] : memref<8192x128xf32, #tpu.memory_space<vmem_shared>> -> memref<8192x128xf32, #tpu.memory_space<vmem_shared>>
    tpu.enqueue_indirect_dma source(%dma_start3A_30 : memref<8192x128xf32, #tpu.memory_space<vmem_shared>>) target(%arg12 : memref<56x128xf32, #tpu.memory_space<vmem>>) offsets(%dma_start3A_27 : memref<56xi32, #tpu.memory_space<vmem>>) semaphore(%arg16 : memref<!tpu.dma_semaphore, #tpu.memory_space<semaphore_mem>>)
    %dma_wait3A = arith.constant 0 : i32
    %dma_wait3A_31 = arith.constant 0 : i32
    %dma_wait3A_32 = tpu.memref_slice %arg9[%dma_wait3A, %dma_wait3A_31] : memref<72x56xi32, #tpu.memory_space<vmem>> -> memref<1x56xi32, #tpu.memory_space<vmem>>
    %dma_wait3A_33 = tpu.memref_squeeze %dma_wait3A_32 : memref<1x56xi32, #tpu.memory_space<vmem>> -> memref<56xi32, #tpu.memory_space<vmem>>
    %dma_wait3A_34 = arith.constant 0 : i32
    %dma_wait3A_35 = arith.constant 0 : i32
    %dma_wait3A_36 = tpu.memref_slice %arg7[%dma_wait3A_34, %dma_wait3A_35] : memref<8192x128xf32, #tpu.memory_space<vmem_shared>> -> memref<8192x128xf32, #tpu.memory_space<vmem_shared>>
    tpu.wait_indirect_dma semaphore(%arg15 : memref<!tpu.dma_semaphore, #tpu.memory_space<semaphore_mem>>) src(%dma_wait3A_36 : memref<8192x128xf32, #tpu.memory_space<vmem_shared>>) dst(%arg11 : memref<56x128xf32, #tpu.memory_space<vmem>>)
    %dma_start3A_37 = arith.constant 0 : i32
    %dma_start3A_38 = arith.constant 0 : i32
    %dma_start3A_39 = tpu.memref_slice %arg10[%dma_start3A_37, %dma_start3A_38] : memref<72x56xi32, #tpu.memory_space<vmem>> -> memref<1x56xi32, #tpu.memory_space<vmem>>
    %dma_start3A_40 = tpu.memref_squeeze %dma_start3A_39 : memref<1x56xi32, #tpu.memory_space<vmem>> -> memref<56xi32, #tpu.memory_space<vmem>>
    %dma_start3A_41 = arith.constant 0 : i32
    %dma_start3A_42 = arith.constant 0 : i32
    %dma_start3A_43 = tpu.memref_slice %arg8[%dma_start3A_41, %dma_start3A_42] : memref<2064x128xf32, #tpu.memory_space<vmem_shared>> -> memref<2064x128xf32, #tpu.memory_space<vmem_shared>>
    tpu.enqueue_indirect_dma source(%arg11 : memref<56x128xf32, #tpu.memory_space<vmem>>) target(%dma_start3A_43 : memref<2064x128xf32, #tpu.memory_space<vmem_shared>>) offsets(%dma_start3A_40 : memref<56xi32, #tpu.memory_space<vmem>>) semaphore(%arg19 : memref<!tpu.dma_semaphore, #tpu.memory_space<semaphore_mem>>) {add = true}
    %dma_start3A_44 = arith.constant 2 : i32
    %dma_start3A_45 = arith.constant 0 : i32
    %dma_start3A_46 = tpu.memref_slice %arg9[%dma_start3A_44, %dma_start3A_45] : memref<72x56xi32, #tpu.memory_space<vmem>> -> memref<1x56xi32, #tpu.memory_space<vmem>>
    %dma_start3A_47 = tpu.memref_squeeze %dma_start3A_46 : memref<1x56xi32, #tpu.memory_space<vmem>> -> memref<56xi32, #tpu.memory_space<vmem>>
    %dma_start3A_48 = arith.constant 0 : i32
    %dma_start3A_49 = arith.constant 0 : i32
    %dma_start3A_50 = tpu.memref_slice %arg7[%dma_start3A_48, %dma_start3A_49] : memref<8192x128xf32, #tpu.memory_space<vmem_shared>> -> memref<8192x128xf32, #tpu.memory_space<vmem_shared>>
    tpu.enqueue_indirect_dma source(%dma_start3A_50 : memref<8192x128xf32, #tpu.memory_space<vmem_shared>>) target(%arg13 : memref<56x128xf32, #tpu.memory_space<vmem>>) offsets(%dma_start3A_47 : memref<56xi32, #tpu.memory_space<vmem>>) semaphore(%arg17 : memref<!tpu.dma_semaphore, #tpu.memory_space<semaphore_mem>>)
    %dma_wait3A_51 = arith.constant 1 : i32
    %dma_wait3A_52 = arith.constant 0 : i32
    %dma_wait3A_53 = tpu.memref_slice %arg9[%dma_wait3A_51, %dma_wait3A_52] : memref<72x56xi32, #tpu.memory_space<vmem>> -> memref<1x56xi32, #tpu.memory_space<vmem>>
    %dma_wait3A_54 = tpu.memref_squeeze %dma_wait3A_53 : memref<1x56xi32, #tpu.memory_space<vmem>> -> memref<56xi32, #tpu.memory_space<vmem>>
    %dma_wait3A_55 = arith.constant 0 : i32
    %dma_wait3A_56 = arith.constant 0 : i32
    %dma_wait3A_57 = tpu.memref_slice %arg7[%dma_wait3A_55, %dma_wait3A_56] : memref<8192x128xf32, #tpu.memory_space<vmem_shared>> -> memref<8192x128xf32, #tpu.memory_space<vmem_shared>>
    tpu.wait_indirect_dma semaphore(%arg16 : memref<!tpu.dma_semaphore, #tpu.memory_space<semaphore_mem>>) src(%dma_wait3A_57 : memref<8192x128xf32, #tpu.memory_space<vmem_shared>>) dst(%arg12 : memref<56x128xf32, #tpu.memory_space<vmem>>)
    %dma_start3A_58 = arith.constant 1 : i32
    %dma_start3A_59 = arith.constant 0 : i32
    %dma_start3A_60 = tpu.memref_slice %arg10[%dma_start3A_58, %dma_start3A_59] : memref<72x56xi32, #tpu.memory_space<vmem>> -> memref<1x56xi32, #tpu.memory_space<vmem>>
    %dma_start3A_61 = tpu.memref_squeeze %dma_start3A_60 : memref<1x56xi32, #tpu.memory_space<vmem>> -> memref<56xi32, #tpu.memory_space<vmem>>
    %dma_start3A_62 = arith.constant 0 : i32
    %dma_start3A_63 = arith.constant 0 : i32
    %dma_start3A_64 = tpu.memref_slice %arg8[%dma_start3A_62, %dma_start3A_63] : memref<2064x128xf32, #tpu.memory_space<vmem_shared>> -> memref<2064x128xf32, #tpu.memory_space<vmem_shared>>
    tpu.enqueue_indirect_dma source(%arg12 : memref<56x128xf32, #tpu.memory_space<vmem>>) target(%dma_start3A_64 : memref<2064x128xf32, #tpu.memory_space<vmem_shared>>) offsets(%dma_start3A_61 : memref<56xi32, #tpu.memory_space<vmem>>) semaphore(%arg20 : memref<!tpu.dma_semaphore, #tpu.memory_space<semaphore_mem>>) {add = true}
    %dma_start3A_65 = arith.constant 3 : i32
    %dma_start3A_66 = arith.constant 0 : i32
    %dma_start3A_67 = tpu.memref_slice %arg9[%dma_start3A_65, %dma_start3A_66] : memref<72x56xi32, #tpu.memory_space<vmem>> -> memref<1x56xi32, #tpu.memory_space<vmem>>
    %dma_start3A_68 = tpu.memref_squeeze %dma_start3A_67 : memref<1x56xi32, #tpu.memory_space<vmem>> -> memref<56xi32, #tpu.memory_space<vmem>>
    %dma_start3A_69 = arith.constant 0 : i32
    %dma_start3A_70 = arith.constant 0 : i32
    %dma_start3A_71 = tpu.memref_slice %arg7[%dma_start3A_69, %dma_start3A_70] : memref<8192x128xf32, #tpu.memory_space<vmem_shared>> -> memref<8192x128xf32, #tpu.memory_space<vmem_shared>>
    tpu.enqueue_indirect_dma source(%dma_start3A_71 : memref<8192x128xf32, #tpu.memory_space<vmem_shared>>) target(%arg14 : memref<56x128xf32, #tpu.memory_space<vmem>>) offsets(%dma_start3A_68 : memref<56xi32, #tpu.memory_space<vmem>>) semaphore(%arg18 : memref<!tpu.dma_semaphore, #tpu.memory_space<semaphore_mem>>)
    %dma_wait3A_72 = arith.constant 2 : i32
    %dma_wait3A_73 = arith.constant 0 : i32
    %dma_wait3A_74 = tpu.memref_slice %arg9[%dma_wait3A_72, %dma_wait3A_73] : memref<72x56xi32, #tpu.memory_space<vmem>> -> memref<1x56xi32, #tpu.memory_space<vmem>>
    %dma_wait3A_75 = tpu.memref_squeeze %dma_wait3A_74 : memref<1x56xi32, #tpu.memory_space<vmem>> -> memref<56xi32, #tpu.memory_space<vmem>>
    %dma_wait3A_76 = arith.constant 0 : i32
    %dma_wait3A_77 = arith.constant 0 : i32
    %dma_wait3A_78 = tpu.memref_slice %arg7[%dma_wait3A_76, %dma_wait3A_77] : memref<8192x128xf32, #tpu.memory_space<vmem_shared>> -> memref<8192x128xf32, #tpu.memory_space<vmem_shared>>
    tpu.wait_indirect_dma semaphore(%arg17 : memref<!tpu.dma_semaphore, #tpu.memory_space<semaphore_mem>>) src(%dma_wait3A_78 : memref<8192x128xf32, #tpu.memory_space<vmem_shared>>) dst(%arg13 : memref<56x128xf32, #tpu.memory_space<vmem>>)
    %dma_start3A_79 = arith.constant 2 : i32
    %dma_start3A_80 = arith.constant 0 : i32
    %dma_start3A_81 = tpu.memref_slice %arg10[%dma_start3A_79, %dma_start3A_80] : memref<72x56xi32, #tpu.memory_space<vmem>> -> memref<1x56xi32, #tpu.memory_space<vmem>>
    %dma_start3A_82 = tpu.memref_squeeze %dma_start3A_81 : memref<1x56xi32, #tpu.memory_space<vmem>> -> memref<56xi32, #tpu.memory_space<vmem>>
    %dma_start3A_83 = arith.constant 0 : i32
    %dma_start3A_84 = arith.constant 0 : i32
    %dma_start3A_85 = tpu.memref_slice %arg8[%dma_start3A_83, %dma_start3A_84] : memref<2064x128xf32, #tpu.memory_space<vmem_shared>> -> memref<2064x128xf32, #tpu.memory_space<vmem_shared>>
    tpu.enqueue_indirect_dma source(%arg13 : memref<56x128xf32, #tpu.memory_space<vmem>>) target(%dma_start3A_85 : memref<2064x128xf32, #tpu.memory_space<vmem_shared>>) offsets(%dma_start3A_82 : memref<56xi32, #tpu.memory_space<vmem>>) semaphore(%arg21 : memref<!tpu.dma_semaphore, #tpu.memory_space<semaphore_mem>>) {add = true}
    %dma_wait3A_86 = arith.constant 0 : i32
    %dma_wait3A_87 = arith.constant 0 : i32
    %dma_wait3A_88 = tpu.memref_slice %arg10[%dma_wait3A_86, %dma_wait3A_87] : memref<72x56xi32, #tpu.memory_space<vmem>> -> memref<1x56xi32, #tpu.memory_space<vmem>>
    %dma_wait3A_89 = tpu.memref_squeeze %dma_wait3A_88 : memref<1x56xi32, #tpu.memory_space<vmem>> -> memref<56xi32, #tpu.memory_space<vmem>>
    %dma_wait3A_90 = arith.constant 0 : i32
    %dma_wait3A_91 = arith.constant 0 : i32
    %dma_wait3A_92 = tpu.memref_slice %arg8[%dma_wait3A_90, %dma_wait3A_91] : memref<2064x128xf32, #tpu.memory_space<vmem_shared>> -> memref<2064x128xf32, #tpu.memory_space<vmem_shared>>
    tpu.wait_indirect_dma semaphore(%arg19 : memref<!tpu.dma_semaphore, #tpu.memory_space<semaphore_mem>>) src(%arg11 : memref<56x128xf32, #tpu.memory_space<vmem>>) dst(%dma_wait3A_92 : memref<2064x128xf32, #tpu.memory_space<vmem_shared>>)
    %dma_start3A_93 = arith.constant 4 : i32
    %dma_start3A_94 = arith.constant 0 : i32
    %dma_start3A_95 = tpu.memref_slice %arg9[%dma_start3A_93, %dma_start3A_94] : memref<72x56xi32, #tpu.memory_space<vmem>> -> memref<1x56xi32, #tpu.memory_space<vmem>>
    %dma_start3A_96 = tpu.memref_squeeze %dma_start3A_95 : memref<1x56xi32, #tpu.memory_space<vmem>> -> memref<56xi32, #tpu.memory_space<vmem>>
    %dma_start3A_97 = arith.constant 0 : i32
    %dma_start3A_98 = arith.constant 0 : i32
    %dma_start3A_99 = tpu.memref_slice %arg7[%dma_start3A_97, %dma_start3A_98] : memref<8192x128xf32, #tpu.memory_space<vmem_shared>> -> memref<8192x128xf32, #tpu.memory_space<vmem_shared>>
    tpu.enqueue_indirect_dma source(%dma_start3A_99 : memref<8192x128xf32, #tpu.memory_space<vmem_shared>>) target(%arg11 : memref<56x128xf32, #tpu.memory_space<vmem>>) offsets(%dma_start3A_96 : memref<56xi32, #tpu.memory_space<vmem>>) semaphore(%arg15 : memref<!tpu.dma_semaphore, #tpu.memory_space<semaphore_mem>>)
    %dma_wait3A_100 = arith.constant 3 : i32
    %dma_wait3A_101 = arith.constant 0 : i32
    %dma_wait3A_102 = tpu.memref_slice %arg9[%dma_wait3A_100, %dma_wait3A_101] : memref<72x56xi32, #tpu.memory_space<vmem>> -> memref<1x56xi32, #tpu.memory_space<vmem>>
    %dma_wait3A_103 = tpu.memref_squeeze %dma_wait3A_102 : memref<1x56xi32, #tpu.memory_space<vmem>> -> memref<56xi32, #tpu.memory_space<vmem>>
    %dma_wait3A_104 = arith.constant 0 : i32
    %dma_wait3A_105 = arith.constant 0 : i32
    %dma_wait3A_106 = tpu.memref_slice %arg7[%dma_wait3A_104, %dma_wait3A_105] : memref<8192x128xf32, #tpu.memory_space<vmem_shared>> -> memref<8192x128xf32, #tpu.memory_space<vmem_shared>>
    tpu.wait_indirect_dma semaphore(%arg18 : memref<!tpu.dma_semaphore, #tpu.memory_space<semaphore_mem>>) src(%dma_wait3A_106 : memref<8192x128xf32, #tpu.memory_space<vmem_shared>>) dst(%arg14 : memref<56x128xf32, #tpu.memory_space<vmem>>)
    %dma_start3A_107 = arith.constant 3 : i32
    %dma_start3A_108 = arith.constant 0 : i32
    %dma_start3A_109 = tpu.memref_slice %arg10[%dma_start3A_107, %dma_start3A_108] : memref<72x56xi32, #tpu.memory_space<vmem>> -> memref<1x56xi32, #tpu.memory_space<vmem>>
    %dma_start3A_110 = tpu.memref_squeeze %dma_start3A_109 : memref<1x56xi32, #tpu.memory_space<vmem>> -> memref<56xi32, #tpu.memory_space<vmem>>
    %dma_start3A_111 = arith.constant 0 : i32
    %dma_start3A_112 = arith.constant 0 : i32
    %dma_start3A_113 = tpu.memref_slice %arg8[%dma_start3A_111, %dma_start3A_112] : memref<2064x128xf32, #tpu.memory_space<vmem_shared>> -> memref<2064x128xf32, #tpu.memory_space<vmem_shared>>
    tpu.enqueue_indirect_dma source(%arg14 : memref<56x128xf32, #tpu.memory_space<vmem>>) target(%dma_start3A_113 : memref<2064x128xf32, #tpu.memory_space<vmem_shared>>) offsets(%dma_start3A_110 : memref<56xi32, #tpu.memory_space<vmem>>) semaphore(%arg22 : memref<!tpu.dma_semaphore, #tpu.memory_space<semaphore_mem>>) {add = true}
    %dma_wait3A_114 = arith.constant 1 : i32
    %dma_wait3A_115 = arith.constant 0 : i32
    %dma_wait3A_116 = tpu.memref_slice %arg10[%dma_wait3A_114, %dma_wait3A_115] : memref<72x56xi32, #tpu.memory_space<vmem>> -> memref<1x56xi32, #tpu.memory_space<vmem>>
    %dma_wait3A_117 = tpu.memref_squeeze %dma_wait3A_116 : memref<1x56xi32, #tpu.memory_space<vmem>> -> memref<56xi32, #tpu.memory_space<vmem>>
    %dma_wait3A_118 = arith.constant 0 : i32
    %dma_wait3A_119 = arith.constant 0 : i32
    %dma_wait3A_120 = tpu.memref_slice %arg8[%dma_wait3A_118, %dma_wait3A_119] : memref<2064x128xf32, #tpu.memory_space<vmem_shared>> -> memref<2064x128xf32, #tpu.memory_space<vmem_shared>>
    tpu.wait_indirect_dma semaphore(%arg20 : memref<!tpu.dma_semaphore, #tpu.memory_space<semaphore_mem>>) src(%arg12 : memref<56x128xf32, #tpu.memory_space<vmem>>) dst(%dma_wait3A_120 : memref<2064x128xf32, #tpu.memory_space<vmem_shared>>)
    %dma_start3A_121 = arith.constant 5 : i32
    %dma_start3A_122 = arith.constant 0 : i32
    %dma_start3A_123 = tpu.memref_slice %arg9[%dma_start3A_121, %dma_start3A_122] : memref<72x56xi32, #tpu.memory_space<vmem>> -> memref<1x56xi32, #tpu.memory_space<vmem>>
    %dma_start3A_124 = tpu.memref_squeeze %dma_start3A_123 : memref<1x56xi32, #tpu.memory_space<vmem>> -> memref<56xi32, #tpu.memory_space<vmem>>
    %dma_start3A_125 = arith.constant 0 : i32
    %dma_start3A_126 = arith.constant 0 : i32
    %dma_start3A_127 = tpu.memref_slice %arg7[%dma_start3A_125, %dma_start3A_126] : memref<8192x128xf32, #tpu.memory_space<vmem_shared>> -> memref<8192x128xf32, #tpu.memory_space<vmem_shared>>
    tpu.enqueue_indirect_dma source(%dma_start3A_127 : memref<8192x128xf32, #tpu.memory_space<vmem_shared>>) target(%arg12 : memref<56x128xf32, #tpu.memory_space<vmem>>) offsets(%dma_start3A_124 : memref<56xi32, #tpu.memory_space<vmem>>) semaphore(%arg16 : memref<!tpu.dma_semaphore, #tpu.memory_space<semaphore_mem>>)
    %scan3A = arith.constant 0 : i32
    %scan3A_128 = arith.constant 0 : i32
    %scan3A_129 = arith.constant 17 : i32
    %scan3A_130 = arith.addi %scan3A_128, %scan3A_129 : i32
    %scan3A_131 = arith.constant 1 : i32
    scf.for %scan3A_338 = %scan3A_128 to %scan3A_130 step %scan3A_131  : i32 {
      %mul3A_339 = arith.constant 4 : i32
      %mul3A_340 = arith.muli %mul3A_339, %scan3A_338 : i32
      %add3A_341 = arith.constant 4 : i32
      %add3A_342 = arith.addi %mul3A_340, %add3A_341 : i32
      %add3A_343 = arith.constant 0 : i32
      %add3A_344 = arith.addi %add3A_342, %add3A_343 : i32
      %dma_wait3A_345 = arith.constant 0 : i32
      %dma_wait3A_346 = tpu.memref_slice %arg9[%add3A_344, %dma_wait3A_345] : memref<72x56xi32, #tpu.memory_space<vmem>> -> memref<1x56xi32, #tpu.memory_space<vmem>>
      %dma_wait3A_347 = tpu.memref_squeeze %dma_wait3A_346 : memref<1x56xi32, #tpu.memory_space<vmem>> -> memref<56xi32, #tpu.memory_space<vmem>>
      %dma_wait3A_348 = arith.constant 0 : i32
      %dma_wait3A_349 = arith.constant 0 : i32
      %dma_wait3A_350 = tpu.memref_slice %arg7[%dma_wait3A_348, %dma_wait3A_349] : memref<8192x128xf32, #tpu.memory_space<vmem_shared>> -> memref<8192x128xf32, #tpu.memory_space<vmem_shared>>
      tpu.wait_indirect_dma semaphore(%arg15 : memref<!tpu.dma_semaphore, #tpu.memory_space<semaphore_mem>>) src(%dma_wait3A_350 : memref<8192x128xf32, #tpu.memory_space<vmem_shared>>) dst(%arg11 : memref<56x128xf32, #tpu.memory_space<vmem>>)
      %dma_start3A_351 = arith.constant 0 : i32
      %dma_start3A_352 = tpu.memref_slice %arg10[%add3A_344, %dma_start3A_351] : memref<72x56xi32, #tpu.memory_space<vmem>> -> memref<1x56xi32, #tpu.memory_space<vmem>>
      %dma_start3A_353 = tpu.memref_squeeze %dma_start3A_352 : memref<1x56xi32, #tpu.memory_space<vmem>> -> memref<56xi32, #tpu.memory_space<vmem>>
      %dma_start3A_354 = arith.constant 0 : i32
      %dma_start3A_355 = arith.constant 0 : i32
      %dma_start3A_356 = tpu.memref_slice %arg8[%dma_start3A_354, %dma_start3A_355] : memref<2064x128xf32, #tpu.memory_space<vmem_shared>> -> memref<2064x128xf32, #tpu.memory_space<vmem_shared>>
      tpu.enqueue_indirect_dma source(%arg11 : memref<56x128xf32, #tpu.memory_space<vmem>>) target(%dma_start3A_356 : memref<2064x128xf32, #tpu.memory_space<vmem_shared>>) offsets(%dma_start3A_353 : memref<56xi32, #tpu.memory_space<vmem>>) semaphore(%arg19 : memref<!tpu.dma_semaphore, #tpu.memory_space<semaphore_mem>>) {add = true}
      %add3A_357 = arith.constant 2 : i32
      %add3A_358 = arith.addi %add3A_344, %add3A_357 : i32
      %lt3A = arith.constant 72 : i32
      %lt3A_359 = arith.cmpi slt, %add3A_358, %lt3A : i32
      %convert_element_type3A_360 = arith.extui %lt3A_359 : i1 to i32
      %cond3A_361 = arith.constant 0 : i32
      %cond3A_362 = arith.cmpi ne, %convert_element_type3A_360, %cond3A_361 : i32
      scf.if %cond3A_362 {
        %sub3A = arith.constant 2 : i32
        %sub3A_426 = arith.subi %add3A_344, %sub3A : i32
        %dma_wait3A_427 = arith.constant 0 : i32
        %dma_wait3A_428 = tpu.memref_slice %arg10[%sub3A_426, %dma_wait3A_427] : memref<72x56xi32, #tpu.memory_space<vmem>> -> memref<1x56xi32, #tpu.memory_space<vmem>>
        %dma_wait3A_429 = tpu.memref_squeeze %dma_wait3A_428 : memref<1x56xi32, #tpu.memory_space<vmem>> -> memref<56xi32, #tpu.memory_space<vmem>>
        %dma_wait3A_430 = arith.constant 0 : i32
        %dma_wait3A_431 = arith.constant 0 : i32
        %dma_wait3A_432 = tpu.memref_slice %arg8[%dma_wait3A_430, %dma_wait3A_431] : memref<2064x128xf32, #tpu.memory_space<vmem_shared>> -> memref<2064x128xf32, #tpu.memory_space<vmem_shared>>
        tpu.wait_indirect_dma semaphore(%arg21 : memref<!tpu.dma_semaphore, #tpu.memory_space<semaphore_mem>>) src(%arg13 : memref<56x128xf32, #tpu.memory_space<vmem>>) dst(%dma_wait3A_432 : memref<2064x128xf32, #tpu.memory_space<vmem_shared>>)
        %add3A_433 = arith.constant 2 : i32
        %add3A_434 = arith.addi %add3A_344, %add3A_433 : i32
        %dma_start3A_435 = arith.constant 0 : i32
        %dma_start3A_436 = tpu.memref_slice %arg9[%add3A_434, %dma_start3A_435] : memref<72x56xi32, #tpu.memory_space<vmem>> -> memref<1x56xi32, #tpu.memory_space<vmem>>
        %dma_start3A_437 = tpu.memref_squeeze %dma_start3A_436 : memref<1x56xi32, #tpu.memory_space<vmem>> -> memref<56xi32, #tpu.memory_space<vmem>>
        %dma_start3A_438 = arith.constant 0 : i32
        %dma_start3A_439 = arith.constant 0 : i32
        %dma_start3A_440 = tpu.memref_slice %arg7[%dma_start3A_438, %dma_start3A_439] : memref<8192x128xf32, #tpu.memory_space<vmem_shared>> -> memref<8192x128xf32, #tpu.memory_space<vmem_shared>>
        tpu.enqueue_indirect_dma source(%dma_start3A_440 : memref<8192x128xf32, #tpu.memory_space<vmem_shared>>) target(%arg13 : memref<56x128xf32, #tpu.memory_space<vmem>>) offsets(%dma_start3A_437 : memref<56xi32, #tpu.memory_space<vmem>>) semaphore(%arg17 : memref<!tpu.dma_semaphore, #tpu.memory_space<semaphore_mem>>)
      } else {
      }
      %add3A_363 = arith.constant 1 : i32
      %add3A_364 = arith.addi %add3A_342, %add3A_363 : i32
      %dma_wait3A_365 = arith.constant 0 : i32
      %dma_wait3A_366 = tpu.memref_slice %arg9[%add3A_364, %dma_wait3A_365] : memref<72x56xi32, #tpu.memory_space<vmem>> -> memref<1x56xi32, #tpu.memory_space<vmem>>
      %dma_wait3A_367 = tpu.memref_squeeze %dma_wait3A_366 : memref<1x56xi32, #tpu.memory_space<vmem>> -> memref<56xi32, #tpu.memory_space<vmem>>
      %dma_wait3A_368 = arith.constant 0 : i32
      %dma_wait3A_369 = arith.constant 0 : i32
      %dma_wait3A_370 = tpu.memref_slice %arg7[%dma_wait3A_368, %dma_wait3A_369] : memref<8192x128xf32, #tpu.memory_space<vmem_shared>> -> memref<8192x128xf32, #tpu.memory_space<vmem_shared>>
      tpu.wait_indirect_dma semaphore(%arg16 : memref<!tpu.dma_semaphore, #tpu.memory_space<semaphore_mem>>) src(%dma_wait3A_370 : memref<8192x128xf32, #tpu.memory_space<vmem_shared>>) dst(%arg12 : memref<56x128xf32, #tpu.memory_space<vmem>>)
      %dma_start3A_371 = arith.constant 0 : i32
      %dma_start3A_372 = tpu.memref_slice %arg10[%add3A_364, %dma_start3A_371] : memref<72x56xi32, #tpu.memory_space<vmem>> -> memref<1x56xi32, #tpu.memory_space<vmem>>
      %dma_start3A_373 = tpu.memref_squeeze %dma_start3A_372 : memref<1x56xi32, #tpu.memory_space<vmem>> -> memref<56xi32, #tpu.memory_space<vmem>>
      %dma_start3A_374 = arith.constant 0 : i32
      %dma_start3A_375 = arith.constant 0 : i32
      %dma_start3A_376 = tpu.memref_slice %arg8[%dma_start3A_374, %dma_start3A_375] : memref<2064x128xf32, #tpu.memory_space<vmem_shared>> -> memref<2064x128xf32, #tpu.memory_space<vmem_shared>>
      tpu.enqueue_indirect_dma source(%arg12 : memref<56x128xf32, #tpu.memory_space<vmem>>) target(%dma_start3A_376 : memref<2064x128xf32, #tpu.memory_space<vmem_shared>>) offsets(%dma_start3A_373 : memref<56xi32, #tpu.memory_space<vmem>>) semaphore(%arg20 : memref<!tpu.dma_semaphore, #tpu.memory_space<semaphore_mem>>) {add = true}
      %add3A_377 = arith.constant 2 : i32
      %add3A_378 = arith.addi %add3A_364, %add3A_377 : i32
      %lt3A_379 = arith.constant 72 : i32
      %lt3A_380 = arith.cmpi slt, %add3A_378, %lt3A_379 : i32
      %convert_element_type3A_381 = arith.extui %lt3A_380 : i1 to i32
      %cond3A_382 = arith.constant 0 : i32
      %cond3A_383 = arith.cmpi ne, %convert_element_type3A_381, %cond3A_382 : i32
      scf.if %cond3A_383 {
        %sub3A = arith.constant 2 : i32
        %sub3A_426 = arith.subi %add3A_364, %sub3A : i32
        %dma_wait3A_427 = arith.constant 0 : i32
        %dma_wait3A_428 = tpu.memref_slice %arg10[%sub3A_426, %dma_wait3A_427] : memref<72x56xi32, #tpu.memory_space<vmem>> -> memref<1x56xi32, #tpu.memory_space<vmem>>
        %dma_wait3A_429 = tpu.memref_squeeze %dma_wait3A_428 : memref<1x56xi32, #tpu.memory_space<vmem>> -> memref<56xi32, #tpu.memory_space<vmem>>
        %dma_wait3A_430 = arith.constant 0 : i32
        %dma_wait3A_431 = arith.constant 0 : i32
        %dma_wait3A_432 = tpu.memref_slice %arg8[%dma_wait3A_430, %dma_wait3A_431] : memref<2064x128xf32, #tpu.memory_space<vmem_shared>> -> memref<2064x128xf32, #tpu.memory_space<vmem_shared>>
        tpu.wait_indirect_dma semaphore(%arg22 : memref<!tpu.dma_semaphore, #tpu.memory_space<semaphore_mem>>) src(%arg14 : memref<56x128xf32, #tpu.memory_space<vmem>>) dst(%dma_wait3A_432 : memref<2064x128xf32, #tpu.memory_space<vmem_shared>>)
        %add3A_433 = arith.constant 2 : i32
        %add3A_434 = arith.addi %add3A_364, %add3A_433 : i32
        %dma_start3A_435 = arith.constant 0 : i32
        %dma_start3A_436 = tpu.memref_slice %arg9[%add3A_434, %dma_start3A_435] : memref<72x56xi32, #tpu.memory_space<vmem>> -> memref<1x56xi32, #tpu.memory_space<vmem>>
        %dma_start3A_437 = tpu.memref_squeeze %dma_start3A_436 : memref<1x56xi32, #tpu.memory_space<vmem>> -> memref<56xi32, #tpu.memory_space<vmem>>
        %dma_start3A_438 = arith.constant 0 : i32
        %dma_start3A_439 = arith.constant 0 : i32
        %dma_start3A_440 = tpu.memref_slice %arg7[%dma_start3A_438, %dma_start3A_439] : memref<8192x128xf32, #tpu.memory_space<vmem_shared>> -> memref<8192x128xf32, #tpu.memory_space<vmem_shared>>
        tpu.enqueue_indirect_dma source(%dma_start3A_440 : memref<8192x128xf32, #tpu.memory_space<vmem_shared>>) target(%arg14 : memref<56x128xf32, #tpu.memory_space<vmem>>) offsets(%dma_start3A_437 : memref<56xi32, #tpu.memory_space<vmem>>) semaphore(%arg18 : memref<!tpu.dma_semaphore, #tpu.memory_space<semaphore_mem>>)
      } else {
      }
      %add3A_384 = arith.constant 2 : i32
      %add3A_385 = arith.addi %add3A_342, %add3A_384 : i32
      %dma_wait3A_386 = arith.constant 0 : i32
      %dma_wait3A_387 = tpu.memref_slice %arg9[%add3A_385, %dma_wait3A_386] : memref<72x56xi32, #tpu.memory_space<vmem>> -> memref<1x56xi32, #tpu.memory_space<vmem>>
      %dma_wait3A_388 = tpu.memref_squeeze %dma_wait3A_387 : memref<1x56xi32, #tpu.memory_space<vmem>> -> memref<56xi32, #tpu.memory_space<vmem>>
      %dma_wait3A_389 = arith.constant 0 : i32
      %dma_wait3A_390 = arith.constant 0 : i32
      %dma_wait3A_391 = tpu.memref_slice %arg7[%dma_wait3A_389, %dma_wait3A_390] : memref<8192x128xf32, #tpu.memory_space<vmem_shared>> -> memref<8192x128xf32, #tpu.memory_space<vmem_shared>>
      tpu.wait_indirect_dma semaphore(%arg17 : memref<!tpu.dma_semaphore, #tpu.memory_space<semaphore_mem>>) src(%dma_wait3A_391 : memref<8192x128xf32, #tpu.memory_space<vmem_shared>>) dst(%arg13 : memref<56x128xf32, #tpu.memory_space<vmem>>)
      %dma_start3A_392 = arith.constant 0 : i32
      %dma_start3A_393 = tpu.memref_slice %arg10[%add3A_385, %dma_start3A_392] : memref<72x56xi32, #tpu.memory_space<vmem>> -> memref<1x56xi32, #tpu.memory_space<vmem>>
      %dma_start3A_394 = tpu.memref_squeeze %dma_start3A_393 : memref<1x56xi32, #tpu.memory_space<vmem>> -> memref<56xi32, #tpu.memory_space<vmem>>
      %dma_start3A_395 = arith.constant 0 : i32
      %dma_start3A_396 = arith.constant 0 : i32
      %dma_start3A_397 = tpu.memref_slice %arg8[%dma_start3A_395, %dma_start3A_396] : memref<2064x128xf32, #tpu.memory_space<vmem_shared>> -> memref<2064x128xf32, #tpu.memory_space<vmem_shared>>
      tpu.enqueue_indirect_dma source(%arg13 : memref<56x128xf32, #tpu.memory_space<vmem>>) target(%dma_start3A_397 : memref<2064x128xf32, #tpu.memory_space<vmem_shared>>) offsets(%dma_start3A_394 : memref<56xi32, #tpu.memory_space<vmem>>) semaphore(%arg21 : memref<!tpu.dma_semaphore, #tpu.memory_space<semaphore_mem>>) {add = true}
      %add3A_398 = arith.constant 2 : i32
      %add3A_399 = arith.addi %add3A_385, %add3A_398 : i32
      %lt3A_400 = arith.constant 72 : i32
      %lt3A_401 = arith.cmpi slt, %add3A_399, %lt3A_400 : i32
      %convert_element_type3A_402 = arith.extui %lt3A_401 : i1 to i32
      %cond3A_403 = arith.constant 0 : i32
      %cond3A_404 = arith.cmpi ne, %convert_element_type3A_402, %cond3A_403 : i32
      scf.if %cond3A_404 {
        %sub3A = arith.constant 2 : i32
        %sub3A_426 = arith.subi %add3A_385, %sub3A : i32
        %dma_wait3A_427 = arith.constant 0 : i32
        %dma_wait3A_428 = tpu.memref_slice %arg10[%sub3A_426, %dma_wait3A_427] : memref<72x56xi32, #tpu.memory_space<vmem>> -> memref<1x56xi32, #tpu.memory_space<vmem>>
        %dma_wait3A_429 = tpu.memref_squeeze %dma_wait3A_428 : memref<1x56xi32, #tpu.memory_space<vmem>> -> memref<56xi32, #tpu.memory_space<vmem>>
        %dma_wait3A_430 = arith.constant 0 : i32
        %dma_wait3A_431 = arith.constant 0 : i32
        %dma_wait3A_432 = tpu.memref_slice %arg8[%dma_wait3A_430, %dma_wait3A_431] : memref<2064x128xf32, #tpu.memory_space<vmem_shared>> -> memref<2064x128xf32, #tpu.memory_space<vmem_shared>>
        tpu.wait_indirect_dma semaphore(%arg19 : memref<!tpu.dma_semaphore, #tpu.memory_space<semaphore_mem>>) src(%arg11 : memref<56x128xf32, #tpu.memory_space<vmem>>) dst(%dma_wait3A_432 : memref<2064x128xf32, #tpu.memory_space<vmem_shared>>)
        %add3A_433 = arith.constant 2 : i32
        %add3A_434 = arith.addi %add3A_385, %add3A_433 : i32
        %dma_start3A_435 = arith.constant 0 : i32
        %dma_start3A_436 = tpu.memref_slice %arg9[%add3A_434, %dma_start3A_435] : memref<72x56xi32, #tpu.memory_space<vmem>> -> memref<1x56xi32, #tpu.memory_space<vmem>>
        %dma_start3A_437 = tpu.memref_squeeze %dma_start3A_436 : memref<1x56xi32, #tpu.memory_space<vmem>> -> memref<56xi32, #tpu.memory_space<vmem>>
        %dma_start3A_438 = arith.constant 0 : i32
        %dma_start3A_439 = arith.constant 0 : i32
        %dma_start3A_440 = tpu.memref_slice %arg7[%dma_start3A_438, %dma_start3A_439] : memref<8192x128xf32, #tpu.memory_space<vmem_shared>> -> memref<8192x128xf32, #tpu.memory_space<vmem_shared>>
        tpu.enqueue_indirect_dma source(%dma_start3A_440 : memref<8192x128xf32, #tpu.memory_space<vmem_shared>>) target(%arg11 : memref<56x128xf32, #tpu.memory_space<vmem>>) offsets(%dma_start3A_437 : memref<56xi32, #tpu.memory_space<vmem>>) semaphore(%arg15 : memref<!tpu.dma_semaphore, #tpu.memory_space<semaphore_mem>>)
      } else {
      }
      %add3A_405 = arith.constant 3 : i32
      %add3A_406 = arith.addi %add3A_342, %add3A_405 : i32
      %dma_wait3A_407 = arith.constant 0 : i32
      %dma_wait3A_408 = tpu.memref_slice %arg9[%add3A_406, %dma_wait3A_407] : memref<72x56xi32, #tpu.memory_space<vmem>> -> memref<1x56xi32, #tpu.memory_space<vmem>>
      %dma_wait3A_409 = tpu.memref_squeeze %dma_wait3A_408 : memref<1x56xi32, #tpu.memory_space<vmem>> -> memref<56xi32, #tpu.memory_space<vmem>>
      %dma_wait3A_410 = arith.constant 0 : i32
      %dma_wait3A_411 = arith.constant 0 : i32
      %dma_wait3A_412 = tpu.memref_slice %arg7[%dma_wait3A_410, %dma_wait3A_411] : memref<8192x128xf32, #tpu.memory_space<vmem_shared>> -> memref<8192x128xf32, #tpu.memory_space<vmem_shared>>
      tpu.wait_indirect_dma semaphore(%arg18 : memref<!tpu.dma_semaphore, #tpu.memory_space<semaphore_mem>>) src(%dma_wait3A_412 : memref<8192x128xf32, #tpu.memory_space<vmem_shared>>) dst(%arg14 : memref<56x128xf32, #tpu.memory_space<vmem>>)
      %dma_start3A_413 = arith.constant 0 : i32
      %dma_start3A_414 = tpu.memref_slice %arg10[%add3A_406, %dma_start3A_413] : memref<72x56xi32, #tpu.memory_space<vmem>> -> memref<1x56xi32, #tpu.memory_space<vmem>>
      %dma_start3A_415 = tpu.memref_squeeze %dma_start3A_414 : memref<1x56xi32, #tpu.memory_space<vmem>> -> memref<56xi32, #tpu.memory_space<vmem>>
      %dma_start3A_416 = arith.constant 0 : i32
      %dma_start3A_417 = arith.constant 0 : i32
      %dma_start3A_418 = tpu.memref_slice %arg8[%dma_start3A_416, %dma_start3A_417] : memref<2064x128xf32, #tpu.memory_space<vmem_shared>> -> memref<2064x128xf32, #tpu.memory_space<vmem_shared>>
      tpu.enqueue_indirect_dma source(%arg14 : memref<56x128xf32, #tpu.memory_space<vmem>>) target(%dma_start3A_418 : memref<2064x128xf32, #tpu.memory_space<vmem_shared>>) offsets(%dma_start3A_415 : memref<56xi32, #tpu.memory_space<vmem>>) semaphore(%arg22 : memref<!tpu.dma_semaphore, #tpu.memory_space<semaphore_mem>>) {add = true}
      %add3A_419 = arith.constant 2 : i32
      %add3A_420 = arith.addi %add3A_406, %add3A_419 : i32
      %lt3A_421 = arith.constant 72 : i32
      %lt3A_422 = arith.cmpi slt, %add3A_420, %lt3A_421 : i32
      %convert_element_type3A_423 = arith.extui %lt3A_422 : i1 to i32
      %cond3A_424 = arith.constant 0 : i32
      %cond3A_425 = arith.cmpi ne, %convert_element_type3A_423, %cond3A_424 : i32
      scf.if %cond3A_425 {
        %sub3A = arith.constant 2 : i32
        %sub3A_426 = arith.subi %add3A_406, %sub3A : i32
        %dma_wait3A_427 = arith.constant 0 : i32
        %dma_wait3A_428 = tpu.memref_slice %arg10[%sub3A_426, %dma_wait3A_427] : memref<72x56xi32, #tpu.memory_space<vmem>> -> memref<1x56xi32, #tpu.memory_space<vmem>>
        %dma_wait3A_429 = tpu.memref_squeeze %dma_wait3A_428 : memref<1x56xi32, #tpu.memory_space<vmem>> -> memref<56xi32, #tpu.memory_space<vmem>>
        %dma_wait3A_430 = arith.constant 0 : i32
        %dma_wait3A_431 = arith.constant 0 : i32
        %dma_wait3A_432 = tpu.memref_slice %arg8[%dma_wait3A_430, %dma_wait3A_431] : memref<2064x128xf32, #tpu.memory_space<vmem_shared>> -> memref<2064x128xf32, #tpu.memory_space<vmem_shared>>
        tpu.wait_indirect_dma semaphore(%arg20 : memref<!tpu.dma_semaphore, #tpu.memory_space<semaphore_mem>>) src(%arg12 : memref<56x128xf32, #tpu.memory_space<vmem>>) dst(%dma_wait3A_432 : memref<2064x128xf32, #tpu.memory_space<vmem_shared>>)
        %add3A_433 = arith.constant 2 : i32
        %add3A_434 = arith.addi %add3A_406, %add3A_433 : i32
        %dma_start3A_435 = arith.constant 0 : i32
        %dma_start3A_436 = tpu.memref_slice %arg9[%add3A_434, %dma_start3A_435] : memref<72x56xi32, #tpu.memory_space<vmem>> -> memref<1x56xi32, #tpu.memory_space<vmem>>
        %dma_start3A_437 = tpu.memref_squeeze %dma_start3A_436 : memref<1x56xi32, #tpu.memory_space<vmem>> -> memref<56xi32, #tpu.memory_space<vmem>>
        %dma_start3A_438 = arith.constant 0 : i32
        %dma_start3A_439 = arith.constant 0 : i32
        %dma_start3A_440 = tpu.memref_slice %arg7[%dma_start3A_438, %dma_start3A_439] : memref<8192x128xf32, #tpu.memory_space<vmem_shared>> -> memref<8192x128xf32, #tpu.memory_space<vmem_shared>>
        tpu.enqueue_indirect_dma source(%dma_start3A_440 : memref<8192x128xf32, #tpu.memory_space<vmem_shared>>) target(%arg12 : memref<56x128xf32, #tpu.memory_space<vmem>>) offsets(%dma_start3A_437 : memref<56xi32, #tpu.memory_space<vmem>>) semaphore(%arg16 : memref<!tpu.dma_semaphore, #tpu.memory_space<semaphore_mem>>)
      } else {
      }
    }
    %scan3A_132 = arith.constant 17 : i32
    %dma_wait3A_133 = arith.constant 68 : i32
    %dma_wait3A_134 = arith.constant 0 : i32
    %dma_wait3A_135 = tpu.memref_slice %arg10[%dma_wait3A_133, %dma_wait3A_134] : memref<72x56xi32, #tpu.memory_space<vmem>> -> memref<1x56xi32, #tpu.memory_space<vmem>>
    %dma_wait3A_136 = tpu.memref_squeeze %dma_wait3A_135 : memref<1x56xi32, #tpu.memory_space<vmem>> -> memref<56xi32, #tpu.memory_space<vmem>>
    %dma_wait3A_137 = arith.constant 0 : i32
    %dma_wait3A_138 = arith.constant 0 : i32
    %dma_wait3A_139 = tpu.memref_slice %arg8[%dma_wait3A_137, %dma_wait3A_138] : memref<2064x128xf32, #tpu.memory_space<vmem_shared>> -> memref<2064x128xf32, #tpu.memory_space<vmem_shared>>
    tpu.wait_indirect_dma semaphore(%arg19 : memref<!tpu.dma_semaphore, #tpu.memory_space<semaphore_mem>>) src(%arg11 : memref<56x128xf32, #tpu.memory_space<vmem>>) dst(%dma_wait3A_139 : memref<2064x128xf32, #tpu.memory_space<vmem_shared>>)
    %dma_wait3A_140 = arith.constant 69 : i32
    %dma_wait3A_141 = arith.constant 0 : i32
    %dma_wait3A_142 = tpu.memref_slice %arg10[%dma_wait3A_140, %dma_wait3A_141] : memref<72x56xi32, #tpu.memory_space<vmem>> -> memref<1x56xi32, #tpu.memory_space<vmem>>
    %dma_wait3A_143 = tpu.memref_squeeze %dma_wait3A_142 : memref<1x56xi32, #tpu.memory_space<vmem>> -> memref<56xi32, #tpu.memory_space<vmem>>
    %dma_wait3A_144 = arith.constant 0 : i32
    %dma_wait3A_145 = arith.constant 0 : i32
    %dma_wait3A_146 = tpu.memref_slice %arg8[%dma_wait3A_144, %dma_wait3A_145] : memref<2064x128xf32, #tpu.memory_space<vmem_shared>> -> memref<2064x128xf32, #tpu.memory_space<vmem_shared>>
    tpu.wait_indirect_dma semaphore(%arg20 : memref<!tpu.dma_semaphore, #tpu.memory_space<semaphore_mem>>) src(%arg12 : memref<56x128xf32, #tpu.memory_space<vmem>>) dst(%dma_wait3A_146 : memref<2064x128xf32, #tpu.memory_space<vmem_shared>>)
    %dma_wait3A_147 = arith.constant 70 : i32
    %dma_wait3A_148 = arith.constant 0 : i32
    %dma_wait3A_149 = tpu.memref_slice %arg10[%dma_wait3A_147, %dma_wait3A_148] : memref<72x56xi32, #tpu.memory_space<vmem>> -> memref<1x56xi32, #tpu.memory_space<vmem>>
    %dma_wait3A_150 = tpu.memref_squeeze %dma_wait3A_149 : memref<1x56xi32, #tpu.memory_space<vmem>> -> memref<56xi32, #tpu.memory_space<vmem>>
    %dma_wait3A_151 = arith.constant 0 : i32
    %dma_wait3A_152 = arith.constant 0 : i32
    %dma_wait3A_153 = tpu.memref_slice %arg8[%dma_wait3A_151, %dma_wait3A_152] : memref<2064x128xf32, #tpu.memory_space<vmem_shared>> -> memref<2064x128xf32, #tpu.memory_space<vmem_shared>>
    tpu.wait_indirect_dma semaphore(%arg21 : memref<!tpu.dma_semaphore, #tpu.memory_space<semaphore_mem>>) src(%arg13 : memref<56x128xf32, #tpu.memory_space<vmem>>) dst(%dma_wait3A_153 : memref<2064x128xf32, #tpu.memory_space<vmem_shared>>)
    %dma_wait3A_154 = arith.constant 71 : i32
    %dma_wait3A_155 = arith.constant 0 : i32
    %dma_wait3A_156 = tpu.memref_slice %arg10[%dma_wait3A_154, %dma_wait3A_155] : memref<72x56xi32, #tpu.memory_space<vmem>> -> memref<1x56xi32, #tpu.memory_space<vmem>>
    %dma_wait3A_157 = tpu.memref_squeeze %dma_wait3A_156 : memref<1x56xi32, #tpu.memory_space<vmem>> -> memref<56xi32, #tpu.memory_space<vmem>>
    %dma_wait3A_158 = arith.constant 0 : i32
    %dma_wait3A_159 = arith.constant 0 : i32
    %dma_wait3A_160 = tpu.memref_slice %arg8[%dma_wait3A_158, %dma_wait3A_159] : memref<2064x128xf32, #tpu.memory_space<vmem_shared>> -> memref<2064x128xf32, #tpu.memory_space<vmem_shared>>
    tpu.wait_indirect_dma semaphore(%arg22 : memref<!tpu.dma_semaphore, #tpu.memory_space<semaphore_mem>>) src(%arg14 : memref<56x128xf32, #tpu.memory_space<vmem>>) dst(%dma_wait3A_160 : memref<2064x128xf32, #tpu.memory_space<vmem_shared>>)
    %barrier3A_161 = arith.constant 0 : index
    tpu.barrier barrier_id(%barrier3A_161)
    %mul3A_162 = arith.constant 128 : i32
    %mul3A_163 = arith.muli %arg1, %mul3A_162 : i32
    %run_scoped3A = arith.constant 0 : i32
    "tpu.region"() ({
      %run_scoped3A_338 = tpu.sem_alloc : memref<!tpu.dma_semaphore, #tpu.memory_space<semaphore_mem>>
      %dma_start3A_339 = arith.constant 0 : i32
      %dma_start3A_340 = tpu.memref_slice %arg6[%arg0, %run_scoped3A, %mul3A_163, %dma_start3A_339] : memref<2x2x2048x128xf32, #tpu.memory_space<hbm>> -> memref<1x1x128x128xf32, #tpu.memory_space<hbm>>
      %dma_start3A_341 = tpu.memref_squeeze %dma_start3A_340 : memref<1x1x128x128xf32, #tpu.memory_space<hbm>> -> memref<128x128xf32, #tpu.memory_space<hbm>>
      %dma_start3A_342 = arith.constant 0 : i32
      %dma_start3A_343 = tpu.memref_slice %arg8[%mul3A_163, %dma_start3A_342] : memref<2064x128xf32, #tpu.memory_space<vmem_shared>> -> memref<128x128xf32, #tpu.memory_space<vmem_shared>>
      tpu.enqueue_dma source(%dma_start3A_343 : memref<128x128xf32, #tpu.memory_space<vmem_shared>>) target(%dma_start3A_341 : memref<128x128xf32, #tpu.memory_space<hbm>>) target_semaphore(%run_scoped3A_338 : memref<!tpu.dma_semaphore, #tpu.memory_space<semaphore_mem>>)
      %dma_wait3A_344 = arith.constant 0 : i32
      %dma_wait3A_345 = tpu.memref_slice %arg6[%arg0, %run_scoped3A, %mul3A_163, %dma_wait3A_344] : memref<2x2x2048x128xf32, #tpu.memory_space<hbm>> -> memref<1x1x128x128xf32, #tpu.memory_space<hbm>>
      %dma_wait3A_346 = tpu.memref_squeeze %dma_wait3A_345 : memref<1x1x128x128xf32, #tpu.memory_space<hbm>> -> memref<128x128xf32, #tpu.memory_space<hbm>>
      %dma_wait3A_347 = arith.constant 0 : i32
      %dma_wait3A_348 = tpu.memref_slice %arg8[%mul3A_163, %dma_wait3A_347] : memref<2064x128xf32, #tpu.memory_space<vmem_shared>> -> memref<128x128xf32, #tpu.memory_space<vmem_shared>>
      tpu.wait_dma2 semaphore(%run_scoped3A_338 : memref<!tpu.dma_semaphore, #tpu.memory_space<semaphore_mem>>) src(%dma_wait3A_348 : memref<128x128xf32, #tpu.memory_space<vmem_shared>>) dst(%dma_wait3A_346 : memref<128x128xf32, #tpu.memory_space<hbm>>)
      tpu.yield
    }) : () -> ()
    "tpu.region"() ({
      %run_scoped3A_338 = tpu.sem_alloc : memref<!tpu.dma_semaphore, #tpu.memory_space<semaphore_mem>>
      tpu.enqueue_dma source(%arg5 : memref<56x128xf32, #tpu.memory_space<hbm>>) target(%arg12 : memref<56x128xf32, #tpu.memory_space<vmem>>) target_semaphore(%run_scoped3A_338 : memref<!tpu.dma_semaphore, #tpu.memory_space<semaphore_mem>>)
      tpu.wait_dma2 semaphore(%run_scoped3A_338 : memref<!tpu.dma_semaphore, #tpu.memory_space<semaphore_mem>>) src(%arg5 : memref<56x128xf32, #tpu.memory_space<hbm>>) dst(%arg12 : memref<56x128xf32, #tpu.memory_space<vmem>>)
      tpu.yield
    }) : () -> ()
    %mul3A_164 = arith.constant 128 : i32
    %mul3A_165 = arith.muli %arg1, %mul3A_164 : i32
    %add3A_166 = arith.constant 0 : i32
    %add3A_167 = arith.addi %mul3A_165, %add3A_166 : i32
    "tpu.region"() ({
      %run_scoped3A_338 = tpu.sem_alloc : memref<!tpu.dma_semaphore, #tpu.memory_space<semaphore_mem>>
      %dma_start3A_339 = arith.constant 0 : i32
      %dma_start3A_340 = arith.constant 0 : i32
      %dma_start3A_341 = tpu.memref_slice %arg12[%dma_start3A_339, %dma_start3A_340] : memref<56x128xf32, #tpu.memory_space<vmem>> -> memref<56x128xf32, #tpu.memory_space<vmem>>
      %dma_start3A_342 = arith.constant 0 : i32
      %dma_start3A_343 = tpu.memref_slice %arg8[%add3A_167, %dma_start3A_342] : memref<2064x128xf32, #tpu.memory_space<vmem_shared>> -> memref<56x128xf32, #tpu.memory_space<vmem_shared>>
      %dma_start3A_344 = arith.constant 0 : i32
      %dma_start3A_345 = tpu.memref_slice %arg8[%add3A_167, %dma_start3A_344] : memref<2064x128xf32, #tpu.memory_space<vmem_shared>> -> memref<56x128xf32, #tpu.memory_space<vmem_shared>>
      %dma_start3A_346 = arith.constant 0 : i32
      %dma_start3A_347 = arith.constant 0 : i32
      %dma_start3A_348 = tpu.memref_slice %arg12[%dma_start3A_346, %dma_start3A_347] : memref<56x128xf32, #tpu.memory_space<vmem>> -> memref<56x128xf32, #tpu.memory_space<vmem>>
      tpu.enqueue_dma source(%dma_start3A_348 : memref<56x128xf32, #tpu.memory_space<vmem>>) target(%dma_start3A_345 : memref<56x128xf32, #tpu.memory_space<vmem_shared>>) target_semaphore(%run_scoped3A_338 : memref<!tpu.dma_semaphore, #tpu.memory_space<semaphore_mem>>)
      %dma_wait3A_349 = arith.constant 0 : i32
      %dma_wait3A_350 = arith.constant 0 : i32
      %dma_wait3A_351 = tpu.memref_slice %arg12[%dma_wait3A_349, %dma_wait3A_350] : memref<56x128xf32, #tpu.memory_space<vmem>> -> memref<56x128xf32, #tpu.memory_space<vmem>>
      %dma_wait3A_352 = arith.constant 0 : i32
      %dma_wait3A_353 = tpu.memref_slice %arg8[%add3A_167, %dma_wait3A_352] : memref<2064x128xf32, #tpu.memory_space<vmem_shared>> -> memref<56x128xf32, #tpu.memory_space<vmem_shared>>
      %dma_wait3A_354 = arith.constant 0 : i32
      %dma_wait3A_355 = tpu.memref_slice %arg8[%add3A_167, %dma_wait3A_354] : memref<2064x128xf32, #tpu.memory_space<vmem_shared>> -> memref<56x128xf32, #tpu.memory_space<vmem_shared>>
      %dma_wait3A_356 = arith.constant 0 : i32
      %dma_wait3A_357 = arith.constant 0 : i32
      %dma_wait3A_358 = tpu.memref_slice %arg12[%dma_wait3A_356, %dma_wait3A_357] : memref<56x128xf32, #tpu.memory_space<vmem>> -> memref<56x128xf32, #tpu.memory_space<vmem>>
      tpu.wait_dma2 semaphore(%run_scoped3A_338 : memref<!tpu.dma_semaphore, #tpu.memory_space<semaphore_mem>>) src(%dma_wait3A_358 : memref<56x128xf32, #tpu.memory_space<vmem>>) dst(%dma_wait3A_355 : memref<56x128xf32, #tpu.memory_space<vmem_shared>>)
      tpu.yield
    }) : () -> ()
    %mul3A_168 = arith.constant 128 : i32
    %mul3A_169 = arith.muli %arg1, %mul3A_168 : i32
    %add3A_170 = arith.constant 56 : i32
    %add3A_171 = arith.addi %mul3A_169, %add3A_170 : i32
    "tpu.region"() ({
      %run_scoped3A_338 = tpu.sem_alloc : memref<!tpu.dma_semaphore, #tpu.memory_space<semaphore_mem>>
      %dma_start3A_339 = arith.constant 0 : i32
      %dma_start3A_340 = arith.constant 0 : i32
      %dma_start3A_341 = tpu.memref_slice %arg12[%dma_start3A_339, %dma_start3A_340] : memref<56x128xf32, #tpu.memory_space<vmem>> -> memref<56x128xf32, #tpu.memory_space<vmem>>
      %dma_start3A_342 = arith.constant 0 : i32
      %dma_start3A_343 = tpu.memref_slice %arg8[%add3A_171, %dma_start3A_342] : memref<2064x128xf32, #tpu.memory_space<vmem_shared>> -> memref<56x128xf32, #tpu.memory_space<vmem_shared>>
      %dma_start3A_344 = arith.constant 0 : i32
      %dma_start3A_345 = tpu.memref_slice %arg8[%add3A_171, %dma_start3A_344] : memref<2064x128xf32, #tpu.memory_space<vmem_shared>> -> memref<56x128xf32, #tpu.memory_space<vmem_shared>>
      %dma_start3A_346 = arith.constant 0 : i32
      %dma_start3A_347 = arith.constant 0 : i32
      %dma_start3A_348 = tpu.memref_slice %arg12[%dma_start3A_346, %dma_start3A_347] : memref<56x128xf32, #tpu.memory_space<vmem>> -> memref<56x128xf32, #tpu.memory_space<vmem>>
      tpu.enqueue_dma source(%dma_start3A_348 : memref<56x128xf32, #tpu.memory_space<vmem>>) target(%dma_start3A_345 : memref<56x128xf32, #tpu.memory_space<vmem_shared>>) target_semaphore(%run_scoped3A_338 : memref<!tpu.dma_semaphore, #tpu.memory_space<semaphore_mem>>)
      %dma_wait3A_349 = arith.constant 0 : i32
      %dma_wait3A_350 = arith.constant 0 : i32
      %dma_wait3A_351 = tpu.memref_slice %arg12[%dma_wait3A_349, %dma_wait3A_350] : memref<56x128xf32, #tpu.memory_space<vmem>> -> memref<56x128xf32, #tpu.memory_space<vmem>>
      %dma_wait3A_352 = arith.constant 0 : i32
      %dma_wait3A_353 = tpu.memref_slice %arg8[%add3A_171, %dma_wait3A_352] : memref<2064x128xf32, #tpu.memory_space<vmem_shared>> -> memref<56x128xf32, #tpu.memory_space<vmem_shared>>
      %dma_wait3A_354 = arith.constant 0 : i32
      %dma_wait3A_355 = tpu.memref_slice %arg8[%add3A_171, %dma_wait3A_354] : memref<2064x128xf32, #tpu.memory_space<vmem_shared>> -> memref<56x128xf32, #tpu.memory_space<vmem_shared>>
      %dma_wait3A_356 = arith.constant 0 : i32
      %dma_wait3A_357 = arith.constant 0 : i32
      %dma_wait3A_358 = tpu.memref_slice %arg12[%dma_wait3A_356, %dma_wait3A_357] : memref<56x128xf32, #tpu.memory_space<vmem>> -> memref<56x128xf32, #tpu.memory_space<vmem>>
      tpu.wait_dma2 semaphore(%run_scoped3A_338 : memref<!tpu.dma_semaphore, #tpu.memory_space<semaphore_mem>>) src(%dma_wait3A_358 : memref<56x128xf32, #tpu.memory_space<vmem>>) dst(%dma_wait3A_355 : memref<56x128xf32, #tpu.memory_space<vmem_shared>>)
      tpu.yield
    }) : () -> ()
    %mul3A_172 = arith.constant 128 : i32
    %mul3A_173 = arith.muli %arg1, %mul3A_172 : i32
    %add3A_174 = arith.constant 112 : i32
    %add3A_175 = arith.addi %mul3A_173, %add3A_174 : i32
    "tpu.region"() ({
      %run_scoped3A_338 = tpu.sem_alloc : memref<!tpu.dma_semaphore, #tpu.memory_space<semaphore_mem>>
      %dma_start3A_339 = arith.constant 0 : i32
      %dma_start3A_340 = arith.constant 0 : i32
      %dma_start3A_341 = tpu.memref_slice %arg12[%dma_start3A_339, %dma_start3A_340] : memref<56x128xf32, #tpu.memory_space<vmem>> -> memref<16x128xf32, #tpu.memory_space<vmem>>
      %dma_start3A_342 = arith.constant 0 : i32
      %dma_start3A_343 = tpu.memref_slice %arg8[%add3A_175, %dma_start3A_342] : memref<2064x128xf32, #tpu.memory_space<vmem_shared>> -> memref<16x128xf32, #tpu.memory_space<vmem_shared>>
      %dma_start3A_344 = arith.constant 0 : i32
      %dma_start3A_345 = tpu.memref_slice %arg8[%add3A_175, %dma_start3A_344] : memref<2064x128xf32, #tpu.memory_space<vmem_shared>> -> memref<16x128xf32, #tpu.memory_space<vmem_shared>>
      %dma_start3A_346 = arith.constant 0 : i32
      %dma_start3A_347 = arith.constant 0 : i32
      %dma_start3A_348 = tpu.memref_slice %arg12[%dma_start3A_346, %dma_start3A_347] : memref<56x128xf32, #tpu.memory_space<vmem>> -> memref<16x128xf32, #tpu.memory_space<vmem>>
      tpu.enqueue_dma source(%dma_start3A_348 : memref<16x128xf32, #tpu.memory_space<vmem>>) target(%dma_start3A_345 : memref<16x128xf32, #tpu.memory_space<vmem_shared>>) target_semaphore(%run_scoped3A_338 : memref<!tpu.dma_semaphore, #tpu.memory_space<semaphore_mem>>)
      %dma_wait3A_349 = arith.constant 0 : i32
      %dma_wait3A_350 = arith.constant 0 : i32
      %dma_wait3A_351 = tpu.memref_slice %arg12[%dma_wait3A_349, %dma_wait3A_350] : memref<56x128xf32, #tpu.memory_space<vmem>> -> memref<16x128xf32, #tpu.memory_space<vmem>>
      %dma_wait3A_352 = arith.constant 0 : i32
      %dma_wait3A_353 = tpu.memref_slice %arg8[%add3A_175, %dma_wait3A_352] : memref<2064x128xf32, #tpu.memory_space<vmem_shared>> -> memref<16x128xf32, #tpu.memory_space<vmem_shared>>
      %dma_wait3A_354 = arith.constant 0 : i32
      %dma_wait3A_355 = tpu.memref_slice %arg8[%add3A_175, %dma_wait3A_354] : memref<2064x128xf32, #tpu.memory_space<vmem_shared>> -> memref<16x128xf32, #tpu.memory_space<vmem_shared>>
      %dma_wait3A_356 = arith.constant 0 : i32
      %dma_wait3A_357 = arith.constant 0 : i32
      %dma_wait3A_358 = tpu.memref_slice %arg12[%dma_wait3A_356, %dma_wait3A_357] : memref<56x128xf32, #tpu.memory_space<vmem>> -> memref<16x128xf32, #tpu.memory_space<vmem>>
      tpu.wait_dma2 semaphore(%run_scoped3A_338 : memref<!tpu.dma_semaphore, #tpu.memory_space<semaphore_mem>>) src(%dma_wait3A_358 : memref<16x128xf32, #tpu.memory_space<vmem>>) dst(%dma_wait3A_355 : memref<16x128xf32, #tpu.memory_space<vmem_shared>>)
      tpu.yield
    }) : () -> ()
    %eq3A_176 = arith.constant 15 : i32
    %eq3A_177 = arith.cmpi eq, %arg1, %eq3A_176 : i32
    %convert_element_type3A_178 = arith.extui %eq3A_177 : i1 to i32
    %cond3A_179 = arith.constant 0 : i32
    %cond3A_180 = arith.cmpi ne, %convert_element_type3A_178, %cond3A_179 : i32
    scf.if %cond3A_180 {
      "tpu.region"() ({
        %run_scoped3A_338 = tpu.sem_alloc : memref<!tpu.dma_semaphore, #tpu.memory_space<semaphore_mem>>
        %dma_start3A_339 = arith.constant 0 : i32
        %dma_start3A_340 = arith.constant 0 : i32
        %dma_start3A_341 = tpu.memref_slice %arg12[%dma_start3A_339, %dma_start3A_340] : memref<56x128xf32, #tpu.memory_space<vmem>> -> memref<16x128xf32, #tpu.memory_space<vmem>>
        %dma_start3A_342 = arith.constant 2048 : i32
        %dma_start3A_343 = arith.constant 0 : i32
        %dma_start3A_344 = tpu.memref_slice %arg8[%dma_start3A_342, %dma_start3A_343] : memref<2064x128xf32, #tpu.memory_space<vmem_shared>> -> memref<16x128xf32, #tpu.memory_space<vmem_shared>>
        %dma_start3A_345 = arith.constant 2048 : i32
        %dma_start3A_346 = arith.constant 0 : i32
        %dma_start3A_347 = tpu.memref_slice %arg8[%dma_start3A_345, %dma_start3A_346] : memref<2064x128xf32, #tpu.memory_space<vmem_shared>> -> memref<16x128xf32, #tpu.memory_space<vmem_shared>>
        %dma_start3A_348 = arith.constant 0 : i32
        %dma_start3A_349 = arith.constant 0 : i32
        %dma_start3A_350 = tpu.memref_slice %arg12[%dma_start3A_348, %dma_start3A_349] : memref<56x128xf32, #tpu.memory_space<vmem>> -> memref<16x128xf32, #tpu.memory_space<vmem>>
        tpu.enqueue_dma source(%dma_start3A_350 : memref<16x128xf32, #tpu.memory_space<vmem>>) target(%dma_start3A_347 : memref<16x128xf32, #tpu.memory_space<vmem_shared>>) target_semaphore(%run_scoped3A_338 : memref<!tpu.dma_semaphore, #tpu.memory_space<semaphore_mem>>)
        %dma_wait3A_351 = arith.constant 0 : i32
        %dma_wait3A_352 = arith.constant 0 : i32
        %dma_wait3A_353 = tpu.memref_slice %arg12[%dma_wait3A_351, %dma_wait3A_352] : memref<56x128xf32, #tpu.memory_space<vmem>> -> memref<16x128xf32, #tpu.memory_space<vmem>>
        %dma_wait3A_354 = arith.constant 2048 : i32
        %dma_wait3A_355 = arith.constant 0 : i32
        %dma_wait3A_356 = tpu.memref_slice %arg8[%dma_wait3A_354, %dma_wait3A_355] : memref<2064x128xf32, #tpu.memory_space<vmem_shared>> -> memref<16x128xf32, #tpu.memory_space<vmem_shared>>
        %dma_wait3A_357 = arith.constant 2048 : i32
        %dma_wait3A_358 = arith.constant 0 : i32
        %dma_wait3A_359 = tpu.memref_slice %arg8[%dma_wait3A_357, %dma_wait3A_358] : memref<2064x128xf32, #tpu.memory_space<vmem_shared>> -> memref<16x128xf32, #tpu.memory_space<vmem_shared>>
        %dma_wait3A_360 = arith.constant 0 : i32
        %dma_wait3A_361 = arith.constant 0 : i32
        %dma_wait3A_362 = tpu.memref_slice %arg12[%dma_wait3A_360, %dma_wait3A_361] : memref<56x128xf32, #tpu.memory_space<vmem>> -> memref<16x128xf32, #tpu.memory_space<vmem>>
        tpu.wait_dma2 semaphore(%run_scoped3A_338 : memref<!tpu.dma_semaphore, #tpu.memory_space<semaphore_mem>>) src(%dma_wait3A_362 : memref<16x128xf32, #tpu.memory_space<vmem>>) dst(%dma_wait3A_359 : memref<16x128xf32, #tpu.memory_space<vmem_shared>>)
        tpu.yield
      }) : () -> ()
    } else {
    }
    %mul3A_181 = arith.constant 512 : i32
    %mul3A_182 = arith.muli %arg1, %mul3A_181 : i32
    %mul3A_183 = arith.constant 2 : i32
    %mul3A_184 = arith.muli %mul3A_183, %arg0 : i32
    %add3A_185 = arith.constant 1 : i32
    %add3A_186 = arith.addi %mul3A_184, %add3A_185 : i32
    "tpu.region"() ({
      %run_scoped3A_338 = tpu.sem_alloc : memref<!tpu.dma_semaphore, #tpu.memory_space<semaphore_mem>>
      %dma_start3A_339 = arith.constant 0 : i32
      %dma_start3A_340 = tpu.memref_slice %arg7[%mul3A_182, %dma_start3A_339] : memref<8192x128xf32, #tpu.memory_space<vmem_shared>> -> memref<512x128xf32, #tpu.memory_space<vmem_shared>>
      %dma_start3A_341 = arith.constant 0 : i32
      %dma_start3A_342 = tpu.memref_slice %arg2[%add3A_186, %mul3A_182, %dma_start3A_341] : memref<4x8192x128xf32, #tpu.memory_space<hbm>> -> memref<1x512x128xf32, #tpu.memory_space<hbm>>
      %dma_start3A_343 = tpu.memref_squeeze %dma_start3A_342 : memref<1x512x128xf32, #tpu.memory_space<hbm>> -> memref<512x128xf32, #tpu.memory_space<hbm>>
      tpu.enqueue_dma source(%dma_start3A_343 : memref<512x128xf32, #tpu.memory_space<hbm>>) target(%dma_start3A_340 : memref<512x128xf32, #tpu.memory_space<vmem_shared>>) target_semaphore(%run_scoped3A_338 : memref<!tpu.dma_semaphore, #tpu.memory_space<semaphore_mem>>)
      %dma_wait3A_344 = arith.constant 0 : i32
      %dma_wait3A_345 = tpu.memref_slice %arg7[%mul3A_182, %dma_wait3A_344] : memref<8192x128xf32, #tpu.memory_space<vmem_shared>> -> memref<512x128xf32, #tpu.memory_space<vmem_shared>>
      %dma_wait3A_346 = arith.constant 0 : i32
      %dma_wait3A_347 = tpu.memref_slice %arg2[%add3A_186, %mul3A_182, %dma_wait3A_346] : memref<4x8192x128xf32, #tpu.memory_space<hbm>> -> memref<1x512x128xf32, #tpu.memory_space<hbm>>
      %dma_wait3A_348 = tpu.memref_squeeze %dma_wait3A_347 : memref<1x512x128xf32, #tpu.memory_space<hbm>> -> memref<512x128xf32, #tpu.memory_space<hbm>>
      tpu.wait_dma2 semaphore(%run_scoped3A_338 : memref<!tpu.dma_semaphore, #tpu.memory_space<semaphore_mem>>) src(%dma_wait3A_348 : memref<512x128xf32, #tpu.memory_space<hbm>>) dst(%dma_wait3A_345 : memref<512x128xf32, #tpu.memory_space<vmem_shared>>)
      tpu.yield
    }) : () -> ()
    %barrier3A_187 = arith.constant 0 : index
    tpu.barrier barrier_id(%barrier3A_187)
    %dma_start3A_188 = arith.constant 0 : i32
    %dma_start3A_189 = arith.constant 0 : i32
    %dma_start3A_190 = tpu.memref_slice %arg9[%dma_start3A_188, %dma_start3A_189] : memref<72x56xi32, #tpu.memory_space<vmem>> -> memref<1x56xi32, #tpu.memory_space<vmem>>
    %dma_start3A_191 = tpu.memref_squeeze %dma_start3A_190 : memref<1x56xi32, #tpu.memory_space<vmem>> -> memref<56xi32, #tpu.memory_space<vmem>>
    %dma_start3A_192 = arith.constant 0 : i32
    %dma_start3A_193 = arith.constant 0 : i32
    %dma_start3A_194 = tpu.memref_slice %arg7[%dma_start3A_192, %dma_start3A_193] : memref<8192x128xf32, #tpu.memory_space<vmem_shared>> -> memref<8192x128xf32, #tpu.memory_space<vmem_shared>>
    tpu.enqueue_indirect_dma source(%dma_start3A_194 : memref<8192x128xf32, #tpu.memory_space<vmem_shared>>) target(%arg11 : memref<56x128xf32, #tpu.memory_space<vmem>>) offsets(%dma_start3A_191 : memref<56xi32, #tpu.memory_space<vmem>>) semaphore(%arg15 : memref<!tpu.dma_semaphore, #tpu.memory_space<semaphore_mem>>)
    %dma_start3A_195 = arith.constant 1 : i32
    %dma_start3A_196 = arith.constant 0 : i32
    %dma_start3A_197 = tpu.memref_slice %arg9[%dma_start3A_195, %dma_start3A_196] : memref<72x56xi32, #tpu.memory_space<vmem>> -> memref<1x56xi32, #tpu.memory_space<vmem>>
    %dma_start3A_198 = tpu.memref_squeeze %dma_start3A_197 : memref<1x56xi32, #tpu.memory_space<vmem>> -> memref<56xi32, #tpu.memory_space<vmem>>
    %dma_start3A_199 = arith.constant 0 : i32
    %dma_start3A_200 = arith.constant 0 : i32
    %dma_start3A_201 = tpu.memref_slice %arg7[%dma_start3A_199, %dma_start3A_200] : memref<8192x128xf32, #tpu.memory_space<vmem_shared>> -> memref<8192x128xf32, #tpu.memory_space<vmem_shared>>
    tpu.enqueue_indirect_dma source(%dma_start3A_201 : memref<8192x128xf32, #tpu.memory_space<vmem_shared>>) target(%arg12 : memref<56x128xf32, #tpu.memory_space<vmem>>) offsets(%dma_start3A_198 : memref<56xi32, #tpu.memory_space<vmem>>) semaphore(%arg16 : memref<!tpu.dma_semaphore, #tpu.memory_space<semaphore_mem>>)
    %dma_wait3A_202 = arith.constant 0 : i32
    %dma_wait3A_203 = arith.constant 0 : i32
    %dma_wait3A_204 = tpu.memref_slice %arg9[%dma_wait3A_202, %dma_wait3A_203] : memref<72x56xi32, #tpu.memory_space<vmem>> -> memref<1x56xi32, #tpu.memory_space<vmem>>
    %dma_wait3A_205 = tpu.memref_squeeze %dma_wait3A_204 : memref<1x56xi32, #tpu.memory_space<vmem>> -> memref<56xi32, #tpu.memory_space<vmem>>
    %dma_wait3A_206 = arith.constant 0 : i32
    %dma_wait3A_207 = arith.constant 0 : i32
    %dma_wait3A_208 = tpu.memref_slice %arg7[%dma_wait3A_206, %dma_wait3A_207] : memref<8192x128xf32, #tpu.memory_space<vmem_shared>> -> memref<8192x128xf32, #tpu.memory_space<vmem_shared>>
    tpu.wait_indirect_dma semaphore(%arg15 : memref<!tpu.dma_semaphore, #tpu.memory_space<semaphore_mem>>) src(%dma_wait3A_208 : memref<8192x128xf32, #tpu.memory_space<vmem_shared>>) dst(%arg11 : memref<56x128xf32, #tpu.memory_space<vmem>>)
    %dma_start3A_209 = arith.constant 0 : i32
    %dma_start3A_210 = arith.constant 0 : i32
    %dma_start3A_211 = tpu.memref_slice %arg10[%dma_start3A_209, %dma_start3A_210] : memref<72x56xi32, #tpu.memory_space<vmem>> -> memref<1x56xi32, #tpu.memory_space<vmem>>
    %dma_start3A_212 = tpu.memref_squeeze %dma_start3A_211 : memref<1x56xi32, #tpu.memory_space<vmem>> -> memref<56xi32, #tpu.memory_space<vmem>>
    %dma_start3A_213 = arith.constant 0 : i32
    %dma_start3A_214 = arith.constant 0 : i32
    %dma_start3A_215 = tpu.memref_slice %arg8[%dma_start3A_213, %dma_start3A_214] : memref<2064x128xf32, #tpu.memory_space<vmem_shared>> -> memref<2064x128xf32, #tpu.memory_space<vmem_shared>>
    tpu.enqueue_indirect_dma source(%arg11 : memref<56x128xf32, #tpu.memory_space<vmem>>) target(%dma_start3A_215 : memref<2064x128xf32, #tpu.memory_space<vmem_shared>>) offsets(%dma_start3A_212 : memref<56xi32, #tpu.memory_space<vmem>>) semaphore(%arg19 : memref<!tpu.dma_semaphore, #tpu.memory_space<semaphore_mem>>) {add = true}
    %dma_start3A_216 = arith.constant 2 : i32
    %dma_start3A_217 = arith.constant 0 : i32
    %dma_start3A_218 = tpu.memref_slice %arg9[%dma_start3A_216, %dma_start3A_217] : memref<72x56xi32, #tpu.memory_space<vmem>> -> memref<1x56xi32, #tpu.memory_space<vmem>>
    %dma_start3A_219 = tpu.memref_squeeze %dma_start3A_218 : memref<1x56xi32, #tpu.memory_space<vmem>> -> memref<56xi32, #tpu.memory_space<vmem>>
    %dma_start3A_220 = arith.constant 0 : i32
    %dma_start3A_221 = arith.constant 0 : i32
    %dma_start3A_222 = tpu.memref_slice %arg7[%dma_start3A_220, %dma_start3A_221] : memref<8192x128xf32, #tpu.memory_space<vmem_shared>> -> memref<8192x128xf32, #tpu.memory_space<vmem_shared>>
    tpu.enqueue_indirect_dma source(%dma_start3A_222 : memref<8192x128xf32, #tpu.memory_space<vmem_shared>>) target(%arg13 : memref<56x128xf32, #tpu.memory_space<vmem>>) offsets(%dma_start3A_219 : memref<56xi32, #tpu.memory_space<vmem>>) semaphore(%arg17 : memref<!tpu.dma_semaphore, #tpu.memory_space<semaphore_mem>>)
    %dma_wait3A_223 = arith.constant 1 : i32
    %dma_wait3A_224 = arith.constant 0 : i32
    %dma_wait3A_225 = tpu.memref_slice %arg9[%dma_wait3A_223, %dma_wait3A_224] : memref<72x56xi32, #tpu.memory_space<vmem>> -> memref<1x56xi32, #tpu.memory_space<vmem>>
    %dma_wait3A_226 = tpu.memref_squeeze %dma_wait3A_225 : memref<1x56xi32, #tpu.memory_space<vmem>> -> memref<56xi32, #tpu.memory_space<vmem>>
    %dma_wait3A_227 = arith.constant 0 : i32
    %dma_wait3A_228 = arith.constant 0 : i32
    %dma_wait3A_229 = tpu.memref_slice %arg7[%dma_wait3A_227, %dma_wait3A_228] : memref<8192x128xf32, #tpu.memory_space<vmem_shared>> -> memref<8192x128xf32, #tpu.memory_space<vmem_shared>>
    tpu.wait_indirect_dma semaphore(%arg16 : memref<!tpu.dma_semaphore, #tpu.memory_space<semaphore_mem>>) src(%dma_wait3A_229 : memref<8192x128xf32, #tpu.memory_space<vmem_shared>>) dst(%arg12 : memref<56x128xf32, #tpu.memory_space<vmem>>)
    %dma_start3A_230 = arith.constant 1 : i32
    %dma_start3A_231 = arith.constant 0 : i32
    %dma_start3A_232 = tpu.memref_slice %arg10[%dma_start3A_230, %dma_start3A_231] : memref<72x56xi32, #tpu.memory_space<vmem>> -> memref<1x56xi32, #tpu.memory_space<vmem>>
    %dma_start3A_233 = tpu.memref_squeeze %dma_start3A_232 : memref<1x56xi32, #tpu.memory_space<vmem>> -> memref<56xi32, #tpu.memory_space<vmem>>
    %dma_start3A_234 = arith.constant 0 : i32
    %dma_start3A_235 = arith.constant 0 : i32
    %dma_start3A_236 = tpu.memref_slice %arg8[%dma_start3A_234, %dma_start3A_235] : memref<2064x128xf32, #tpu.memory_space<vmem_shared>> -> memref<2064x128xf32, #tpu.memory_space<vmem_shared>>
    tpu.enqueue_indirect_dma source(%arg12 : memref<56x128xf32, #tpu.memory_space<vmem>>) target(%dma_start3A_236 : memref<2064x128xf32, #tpu.memory_space<vmem_shared>>) offsets(%dma_start3A_233 : memref<56xi32, #tpu.memory_space<vmem>>) semaphore(%arg20 : memref<!tpu.dma_semaphore, #tpu.memory_space<semaphore_mem>>) {add = true}
    %dma_start3A_237 = arith.constant 3 : i32
    %dma_start3A_238 = arith.constant 0 : i32
    %dma_start3A_239 = tpu.memref_slice %arg9[%dma_start3A_237, %dma_start3A_238] : memref<72x56xi32, #tpu.memory_space<vmem>> -> memref<1x56xi32, #tpu.memory_space<vmem>>
    %dma_start3A_240 = tpu.memref_squeeze %dma_start3A_239 : memref<1x56xi32, #tpu.memory_space<vmem>> -> memref<56xi32, #tpu.memory_space<vmem>>
    %dma_start3A_241 = arith.constant 0 : i32
    %dma_start3A_242 = arith.constant 0 : i32
    %dma_start3A_243 = tpu.memref_slice %arg7[%dma_start3A_241, %dma_start3A_242] : memref<8192x128xf32, #tpu.memory_space<vmem_shared>> -> memref<8192x128xf32, #tpu.memory_space<vmem_shared>>
    tpu.enqueue_indirect_dma source(%dma_start3A_243 : memref<8192x128xf32, #tpu.memory_space<vmem_shared>>) target(%arg14 : memref<56x128xf32, #tpu.memory_space<vmem>>) offsets(%dma_start3A_240 : memref<56xi32, #tpu.memory_space<vmem>>) semaphore(%arg18 : memref<!tpu.dma_semaphore, #tpu.memory_space<semaphore_mem>>)
    %dma_wait3A_244 = arith.constant 2 : i32
    %dma_wait3A_245 = arith.constant 0 : i32
    %dma_wait3A_246 = tpu.memref_slice %arg9[%dma_wait3A_244, %dma_wait3A_245] : memref<72x56xi32, #tpu.memory_space<vmem>> -> memref<1x56xi32, #tpu.memory_space<vmem>>
    %dma_wait3A_247 = tpu.memref_squeeze %dma_wait3A_246 : memref<1x56xi32, #tpu.memory_space<vmem>> -> memref<56xi32, #tpu.memory_space<vmem>>
    %dma_wait3A_248 = arith.constant 0 : i32
    %dma_wait3A_249 = arith.constant 0 : i32
    %dma_wait3A_250 = tpu.memref_slice %arg7[%dma_wait3A_248, %dma_wait3A_249] : memref<8192x128xf32, #tpu.memory_space<vmem_shared>> -> memref<8192x128xf32, #tpu.memory_space<vmem_shared>>
    tpu.wait_indirect_dma semaphore(%arg17 : memref<!tpu.dma_semaphore, #tpu.memory_space<semaphore_mem>>) src(%dma_wait3A_250 : memref<8192x128xf32, #tpu.memory_space<vmem_shared>>) dst(%arg13 : memref<56x128xf32, #tpu.memory_space<vmem>>)
    %dma_start3A_251 = arith.constant 2 : i32
    %dma_start3A_252 = arith.constant 0 : i32
    %dma_start3A_253 = tpu.memref_slice %arg10[%dma_start3A_251, %dma_start3A_252] : memref<72x56xi32, #tpu.memory_space<vmem>> -> memref<1x56xi32, #tpu.memory_space<vmem>>
    %dma_start3A_254 = tpu.memref_squeeze %dma_start3A_253 : memref<1x56xi32, #tpu.memory_space<vmem>> -> memref<56xi32, #tpu.memory_space<vmem>>
    %dma_start3A_255 = arith.constant 0 : i32
    %dma_start3A_256 = arith.constant 0 : i32
    %dma_start3A_257 = tpu.memref_slice %arg8[%dma_start3A_255, %dma_start3A_256] : memref<2064x128xf32, #tpu.memory_space<vmem_shared>> -> memref<2064x128xf32, #tpu.memory_space<vmem_shared>>
    tpu.enqueue_indirect_dma source(%arg13 : memref<56x128xf32, #tpu.memory_space<vmem>>) target(%dma_start3A_257 : memref<2064x128xf32, #tpu.memory_space<vmem_shared>>) offsets(%dma_start3A_254 : memref<56xi32, #tpu.memory_space<vmem>>) semaphore(%arg21 : memref<!tpu.dma_semaphore, #tpu.memory_space<semaphore_mem>>) {add = true}
    %dma_wait3A_258 = arith.constant 0 : i32
    %dma_wait3A_259 = arith.constant 0 : i32
    %dma_wait3A_260 = tpu.memref_slice %arg10[%dma_wait3A_258, %dma_wait3A_259] : memref<72x56xi32, #tpu.memory_space<vmem>> -> memref<1x56xi32, #tpu.memory_space<vmem>>
    %dma_wait3A_261 = tpu.memref_squeeze %dma_wait3A_260 : memref<1x56xi32, #tpu.memory_space<vmem>> -> memref<56xi32, #tpu.memory_space<vmem>>
    %dma_wait3A_262 = arith.constant 0 : i32
    %dma_wait3A_263 = arith.constant 0 : i32
    %dma_wait3A_264 = tpu.memref_slice %arg8[%dma_wait3A_262, %dma_wait3A_263] : memref<2064x128xf32, #tpu.memory_space<vmem_shared>> -> memref<2064x128xf32, #tpu.memory_space<vmem_shared>>
    tpu.wait_indirect_dma semaphore(%arg19 : memref<!tpu.dma_semaphore, #tpu.memory_space<semaphore_mem>>) src(%arg11 : memref<56x128xf32, #tpu.memory_space<vmem>>) dst(%dma_wait3A_264 : memref<2064x128xf32, #tpu.memory_space<vmem_shared>>)
    %dma_start3A_265 = arith.constant 4 : i32
    %dma_start3A_266 = arith.constant 0 : i32
    %dma_start3A_267 = tpu.memref_slice %arg9[%dma_start3A_265, %dma_start3A_266] : memref<72x56xi32, #tpu.memory_space<vmem>> -> memref<1x56xi32, #tpu.memory_space<vmem>>
    %dma_start3A_268 = tpu.memref_squeeze %dma_start3A_267 : memref<1x56xi32, #tpu.memory_space<vmem>> -> memref<56xi32, #tpu.memory_space<vmem>>
    %dma_start3A_269 = arith.constant 0 : i32
    %dma_start3A_270 = arith.constant 0 : i32
    %dma_start3A_271 = tpu.memref_slice %arg7[%dma_start3A_269, %dma_start3A_270] : memref<8192x128xf32, #tpu.memory_space<vmem_shared>> -> memref<8192x128xf32, #tpu.memory_space<vmem_shared>>
    tpu.enqueue_indirect_dma source(%dma_start3A_271 : memref<8192x128xf32, #tpu.memory_space<vmem_shared>>) target(%arg11 : memref<56x128xf32, #tpu.memory_space<vmem>>) offsets(%dma_start3A_268 : memref<56xi32, #tpu.memory_space<vmem>>) semaphore(%arg15 : memref<!tpu.dma_semaphore, #tpu.memory_space<semaphore_mem>>)
    %dma_wait3A_272 = arith.constant 3 : i32
    %dma_wait3A_273 = arith.constant 0 : i32
    %dma_wait3A_274 = tpu.memref_slice %arg9[%dma_wait3A_272, %dma_wait3A_273] : memref<72x56xi32, #tpu.memory_space<vmem>> -> memref<1x56xi32, #tpu.memory_space<vmem>>
    %dma_wait3A_275 = tpu.memref_squeeze %dma_wait3A_274 : memref<1x56xi32, #tpu.memory_space<vmem>> -> memref<56xi32, #tpu.memory_space<vmem>>
    %dma_wait3A_276 = arith.constant 0 : i32
    %dma_wait3A_277 = arith.constant 0 : i32
    %dma_wait3A_278 = tpu.memref_slice %arg7[%dma_wait3A_276, %dma_wait3A_277] : memref<8192x128xf32, #tpu.memory_space<vmem_shared>> -> memref<8192x128xf32, #tpu.memory_space<vmem_shared>>
    tpu.wait_indirect_dma semaphore(%arg18 : memref<!tpu.dma_semaphore, #tpu.memory_space<semaphore_mem>>) src(%dma_wait3A_278 : memref<8192x128xf32, #tpu.memory_space<vmem_shared>>) dst(%arg14 : memref<56x128xf32, #tpu.memory_space<vmem>>)
    %dma_start3A_279 = arith.constant 3 : i32
    %dma_start3A_280 = arith.constant 0 : i32
    %dma_start3A_281 = tpu.memref_slice %arg10[%dma_start3A_279, %dma_start3A_280] : memref<72x56xi32, #tpu.memory_space<vmem>> -> memref<1x56xi32, #tpu.memory_space<vmem>>
    %dma_start3A_282 = tpu.memref_squeeze %dma_start3A_281 : memref<1x56xi32, #tpu.memory_space<vmem>> -> memref<56xi32, #tpu.memory_space<vmem>>
    %dma_start3A_283 = arith.constant 0 : i32
    %dma_start3A_284 = arith.constant 0 : i32
    %dma_start3A_285 = tpu.memref_slice %arg8[%dma_start3A_283, %dma_start3A_284] : memref<2064x128xf32, #tpu.memory_space<vmem_shared>> -> memref<2064x128xf32, #tpu.memory_space<vmem_shared>>
    tpu.enqueue_indirect_dma source(%arg14 : memref<56x128xf32, #tpu.memory_space<vmem>>) target(%dma_start3A_285 : memref<2064x128xf32, #tpu.memory_space<vmem_shared>>) offsets(%dma_start3A_282 : memref<56xi32, #tpu.memory_space<vmem>>) semaphore(%arg22 : memref<!tpu.dma_semaphore, #tpu.memory_space<semaphore_mem>>) {add = true}
    %dma_wait3A_286 = arith.constant 1 : i32
    %dma_wait3A_287 = arith.constant 0 : i32
    %dma_wait3A_288 = tpu.memref_slice %arg10[%dma_wait3A_286, %dma_wait3A_287] : memref<72x56xi32, #tpu.memory_space<vmem>> -> memref<1x56xi32, #tpu.memory_space<vmem>>
    %dma_wait3A_289 = tpu.memref_squeeze %dma_wait3A_288 : memref<1x56xi32, #tpu.memory_space<vmem>> -> memref<56xi32, #tpu.memory_space<vmem>>
    %dma_wait3A_290 = arith.constant 0 : i32
    %dma_wait3A_291 = arith.constant 0 : i32
    %dma_wait3A_292 = tpu.memref_slice %arg8[%dma_wait3A_290, %dma_wait3A_291] : memref<2064x128xf32, #tpu.memory_space<vmem_shared>> -> memref<2064x128xf32, #tpu.memory_space<vmem_shared>>
    tpu.wait_indirect_dma semaphore(%arg20 : memref<!tpu.dma_semaphore, #tpu.memory_space<semaphore_mem>>) src(%arg12 : memref<56x128xf32, #tpu.memory_space<vmem>>) dst(%dma_wait3A_292 : memref<2064x128xf32, #tpu.memory_space<vmem_shared>>)
    %dma_start3A_293 = arith.constant 5 : i32
    %dma_start3A_294 = arith.constant 0 : i32
    %dma_start3A_295 = tpu.memref_slice %arg9[%dma_start3A_293, %dma_start3A_294] : memref<72x56xi32, #tpu.memory_space<vmem>> -> memref<1x56xi32, #tpu.memory_space<vmem>>
    %dma_start3A_296 = tpu.memref_squeeze %dma_start3A_295 : memref<1x56xi32, #tpu.memory_space<vmem>> -> memref<56xi32, #tpu.memory_space<vmem>>
    %dma_start3A_297 = arith.constant 0 : i32
    %dma_start3A_298 = arith.constant 0 : i32
    %dma_start3A_299 = tpu.memref_slice %arg7[%dma_start3A_297, %dma_start3A_298] : memref<8192x128xf32, #tpu.memory_space<vmem_shared>> -> memref<8192x128xf32, #tpu.memory_space<vmem_shared>>
    tpu.enqueue_indirect_dma source(%dma_start3A_299 : memref<8192x128xf32, #tpu.memory_space<vmem_shared>>) target(%arg12 : memref<56x128xf32, #tpu.memory_space<vmem>>) offsets(%dma_start3A_296 : memref<56xi32, #tpu.memory_space<vmem>>) semaphore(%arg16 : memref<!tpu.dma_semaphore, #tpu.memory_space<semaphore_mem>>)
    %scan3A_300 = arith.constant 0 : i32
    %scan3A_301 = arith.constant 0 : i32
    %scan3A_302 = arith.constant 17 : i32
    %scan3A_303 = arith.addi %scan3A_301, %scan3A_302 : i32
    %scan3A_304 = arith.constant 1 : i32
    scf.for %scan3A_338 = %scan3A_301 to %scan3A_303 step %scan3A_304  : i32 {
      %mul3A_339 = arith.constant 4 : i32
      %mul3A_340 = arith.muli %mul3A_339, %scan3A_338 : i32
      %add3A_341 = arith.constant 4 : i32
      %add3A_342 = arith.addi %mul3A_340, %add3A_341 : i32
      %add3A_343 = arith.constant 0 : i32
      %add3A_344 = arith.addi %add3A_342, %add3A_343 : i32
      %dma_wait3A_345 = arith.constant 0 : i32
      %dma_wait3A_346 = tpu.memref_slice %arg9[%add3A_344, %dma_wait3A_345] : memref<72x56xi32, #tpu.memory_space<vmem>> -> memref<1x56xi32, #tpu.memory_space<vmem>>
      %dma_wait3A_347 = tpu.memref_squeeze %dma_wait3A_346 : memref<1x56xi32, #tpu.memory_space<vmem>> -> memref<56xi32, #tpu.memory_space<vmem>>
      %dma_wait3A_348 = arith.constant 0 : i32
      %dma_wait3A_349 = arith.constant 0 : i32
      %dma_wait3A_350 = tpu.memref_slice %arg7[%dma_wait3A_348, %dma_wait3A_349] : memref<8192x128xf32, #tpu.memory_space<vmem_shared>> -> memref<8192x128xf32, #tpu.memory_space<vmem_shared>>
      tpu.wait_indirect_dma semaphore(%arg15 : memref<!tpu.dma_semaphore, #tpu.memory_space<semaphore_mem>>) src(%dma_wait3A_350 : memref<8192x128xf32, #tpu.memory_space<vmem_shared>>) dst(%arg11 : memref<56x128xf32, #tpu.memory_space<vmem>>)
      %dma_start3A_351 = arith.constant 0 : i32
      %dma_start3A_352 = tpu.memref_slice %arg10[%add3A_344, %dma_start3A_351] : memref<72x56xi32, #tpu.memory_space<vmem>> -> memref<1x56xi32, #tpu.memory_space<vmem>>
      %dma_start3A_353 = tpu.memref_squeeze %dma_start3A_352 : memref<1x56xi32, #tpu.memory_space<vmem>> -> memref<56xi32, #tpu.memory_space<vmem>>
      %dma_start3A_354 = arith.constant 0 : i32
      %dma_start3A_355 = arith.constant 0 : i32
      %dma_start3A_356 = tpu.memref_slice %arg8[%dma_start3A_354, %dma_start3A_355] : memref<2064x128xf32, #tpu.memory_space<vmem_shared>> -> memref<2064x128xf32, #tpu.memory_space<vmem_shared>>
      tpu.enqueue_indirect_dma source(%arg11 : memref<56x128xf32, #tpu.memory_space<vmem>>) target(%dma_start3A_356 : memref<2064x128xf32, #tpu.memory_space<vmem_shared>>) offsets(%dma_start3A_353 : memref<56xi32, #tpu.memory_space<vmem>>) semaphore(%arg19 : memref<!tpu.dma_semaphore, #tpu.memory_space<semaphore_mem>>) {add = true}
      %add3A_357 = arith.constant 2 : i32
      %add3A_358 = arith.addi %add3A_344, %add3A_357 : i32
      %lt3A = arith.constant 72 : i32
      %lt3A_359 = arith.cmpi slt, %add3A_358, %lt3A : i32
      %convert_element_type3A_360 = arith.extui %lt3A_359 : i1 to i32
      %cond3A_361 = arith.constant 0 : i32
      %cond3A_362 = arith.cmpi ne, %convert_element_type3A_360, %cond3A_361 : i32
      scf.if %cond3A_362 {
        %sub3A = arith.constant 2 : i32
        %sub3A_426 = arith.subi %add3A_344, %sub3A : i32
        %dma_wait3A_427 = arith.constant 0 : i32
        %dma_wait3A_428 = tpu.memref_slice %arg10[%sub3A_426, %dma_wait3A_427] : memref<72x56xi32, #tpu.memory_space<vmem>> -> memref<1x56xi32, #tpu.memory_space<vmem>>
        %dma_wait3A_429 = tpu.memref_squeeze %dma_wait3A_428 : memref<1x56xi32, #tpu.memory_space<vmem>> -> memref<56xi32, #tpu.memory_space<vmem>>
        %dma_wait3A_430 = arith.constant 0 : i32
        %dma_wait3A_431 = arith.constant 0 : i32
        %dma_wait3A_432 = tpu.memref_slice %arg8[%dma_wait3A_430, %dma_wait3A_431] : memref<2064x128xf32, #tpu.memory_space<vmem_shared>> -> memref<2064x128xf32, #tpu.memory_space<vmem_shared>>
        tpu.wait_indirect_dma semaphore(%arg21 : memref<!tpu.dma_semaphore, #tpu.memory_space<semaphore_mem>>) src(%arg13 : memref<56x128xf32, #tpu.memory_space<vmem>>) dst(%dma_wait3A_432 : memref<2064x128xf32, #tpu.memory_space<vmem_shared>>)
        %add3A_433 = arith.constant 2 : i32
        %add3A_434 = arith.addi %add3A_344, %add3A_433 : i32
        %dma_start3A_435 = arith.constant 0 : i32
        %dma_start3A_436 = tpu.memref_slice %arg9[%add3A_434, %dma_start3A_435] : memref<72x56xi32, #tpu.memory_space<vmem>> -> memref<1x56xi32, #tpu.memory_space<vmem>>
        %dma_start3A_437 = tpu.memref_squeeze %dma_start3A_436 : memref<1x56xi32, #tpu.memory_space<vmem>> -> memref<56xi32, #tpu.memory_space<vmem>>
        %dma_start3A_438 = arith.constant 0 : i32
        %dma_start3A_439 = arith.constant 0 : i32
        %dma_start3A_440 = tpu.memref_slice %arg7[%dma_start3A_438, %dma_start3A_439] : memref<8192x128xf32, #tpu.memory_space<vmem_shared>> -> memref<8192x128xf32, #tpu.memory_space<vmem_shared>>
        tpu.enqueue_indirect_dma source(%dma_start3A_440 : memref<8192x128xf32, #tpu.memory_space<vmem_shared>>) target(%arg13 : memref<56x128xf32, #tpu.memory_space<vmem>>) offsets(%dma_start3A_437 : memref<56xi32, #tpu.memory_space<vmem>>) semaphore(%arg17 : memref<!tpu.dma_semaphore, #tpu.memory_space<semaphore_mem>>)
      } else {
      }
      %add3A_363 = arith.constant 1 : i32
      %add3A_364 = arith.addi %add3A_342, %add3A_363 : i32
      %dma_wait3A_365 = arith.constant 0 : i32
      %dma_wait3A_366 = tpu.memref_slice %arg9[%add3A_364, %dma_wait3A_365] : memref<72x56xi32, #tpu.memory_space<vmem>> -> memref<1x56xi32, #tpu.memory_space<vmem>>
      %dma_wait3A_367 = tpu.memref_squeeze %dma_wait3A_366 : memref<1x56xi32, #tpu.memory_space<vmem>> -> memref<56xi32, #tpu.memory_space<vmem>>
      %dma_wait3A_368 = arith.constant 0 : i32
      %dma_wait3A_369 = arith.constant 0 : i32
      %dma_wait3A_370 = tpu.memref_slice %arg7[%dma_wait3A_368, %dma_wait3A_369] : memref<8192x128xf32, #tpu.memory_space<vmem_shared>> -> memref<8192x128xf32, #tpu.memory_space<vmem_shared>>
      tpu.wait_indirect_dma semaphore(%arg16 : memref<!tpu.dma_semaphore, #tpu.memory_space<semaphore_mem>>) src(%dma_wait3A_370 : memref<8192x128xf32, #tpu.memory_space<vmem_shared>>) dst(%arg12 : memref<56x128xf32, #tpu.memory_space<vmem>>)
      %dma_start3A_371 = arith.constant 0 : i32
      %dma_start3A_372 = tpu.memref_slice %arg10[%add3A_364, %dma_start3A_371] : memref<72x56xi32, #tpu.memory_space<vmem>> -> memref<1x56xi32, #tpu.memory_space<vmem>>
      %dma_start3A_373 = tpu.memref_squeeze %dma_start3A_372 : memref<1x56xi32, #tpu.memory_space<vmem>> -> memref<56xi32, #tpu.memory_space<vmem>>
      %dma_start3A_374 = arith.constant 0 : i32
      %dma_start3A_375 = arith.constant 0 : i32
      %dma_start3A_376 = tpu.memref_slice %arg8[%dma_start3A_374, %dma_start3A_375] : memref<2064x128xf32, #tpu.memory_space<vmem_shared>> -> memref<2064x128xf32, #tpu.memory_space<vmem_shared>>
      tpu.enqueue_indirect_dma source(%arg12 : memref<56x128xf32, #tpu.memory_space<vmem>>) target(%dma_start3A_376 : memref<2064x128xf32, #tpu.memory_space<vmem_shared>>) offsets(%dma_start3A_373 : memref<56xi32, #tpu.memory_space<vmem>>) semaphore(%arg20 : memref<!tpu.dma_semaphore, #tpu.memory_space<semaphore_mem>>) {add = true}
      %add3A_377 = arith.constant 2 : i32
      %add3A_378 = arith.addi %add3A_364, %add3A_377 : i32
      %lt3A_379 = arith.constant 72 : i32
      %lt3A_380 = arith.cmpi slt, %add3A_378, %lt3A_379 : i32
      %convert_element_type3A_381 = arith.extui %lt3A_380 : i1 to i32
      %cond3A_382 = arith.constant 0 : i32
      %cond3A_383 = arith.cmpi ne, %convert_element_type3A_381, %cond3A_382 : i32
      scf.if %cond3A_383 {
        %sub3A = arith.constant 2 : i32
        %sub3A_426 = arith.subi %add3A_364, %sub3A : i32
        %dma_wait3A_427 = arith.constant 0 : i32
        %dma_wait3A_428 = tpu.memref_slice %arg10[%sub3A_426, %dma_wait3A_427] : memref<72x56xi32, #tpu.memory_space<vmem>> -> memref<1x56xi32, #tpu.memory_space<vmem>>
        %dma_wait3A_429 = tpu.memref_squeeze %dma_wait3A_428 : memref<1x56xi32, #tpu.memory_space<vmem>> -> memref<56xi32, #tpu.memory_space<vmem>>
        %dma_wait3A_430 = arith.constant 0 : i32
        %dma_wait3A_431 = arith.constant 0 : i32
        %dma_wait3A_432 = tpu.memref_slice %arg8[%dma_wait3A_430, %dma_wait3A_431] : memref<2064x128xf32, #tpu.memory_space<vmem_shared>> -> memref<2064x128xf32, #tpu.memory_space<vmem_shared>>
        tpu.wait_indirect_dma semaphore(%arg22 : memref<!tpu.dma_semaphore, #tpu.memory_space<semaphore_mem>>) src(%arg14 : memref<56x128xf32, #tpu.memory_space<vmem>>) dst(%dma_wait3A_432 : memref<2064x128xf32, #tpu.memory_space<vmem_shared>>)
        %add3A_433 = arith.constant 2 : i32
        %add3A_434 = arith.addi %add3A_364, %add3A_433 : i32
        %dma_start3A_435 = arith.constant 0 : i32
        %dma_start3A_436 = tpu.memref_slice %arg9[%add3A_434, %dma_start3A_435] : memref<72x56xi32, #tpu.memory_space<vmem>> -> memref<1x56xi32, #tpu.memory_space<vmem>>
        %dma_start3A_437 = tpu.memref_squeeze %dma_start3A_436 : memref<1x56xi32, #tpu.memory_space<vmem>> -> memref<56xi32, #tpu.memory_space<vmem>>
        %dma_start3A_438 = arith.constant 0 : i32
        %dma_start3A_439 = arith.constant 0 : i32
        %dma_start3A_440 = tpu.memref_slice %arg7[%dma_start3A_438, %dma_start3A_439] : memref<8192x128xf32, #tpu.memory_space<vmem_shared>> -> memref<8192x128xf32, #tpu.memory_space<vmem_shared>>
        tpu.enqueue_indirect_dma source(%dma_start3A_440 : memref<8192x128xf32, #tpu.memory_space<vmem_shared>>) target(%arg14 : memref<56x128xf32, #tpu.memory_space<vmem>>) offsets(%dma_start3A_437 : memref<56xi32, #tpu.memory_space<vmem>>) semaphore(%arg18 : memref<!tpu.dma_semaphore, #tpu.memory_space<semaphore_mem>>)
      } else {
      }
      %add3A_384 = arith.constant 2 : i32
      %add3A_385 = arith.addi %add3A_342, %add3A_384 : i32
      %dma_wait3A_386 = arith.constant 0 : i32
      %dma_wait3A_387 = tpu.memref_slice %arg9[%add3A_385, %dma_wait3A_386] : memref<72x56xi32, #tpu.memory_space<vmem>> -> memref<1x56xi32, #tpu.memory_space<vmem>>
      %dma_wait3A_388 = tpu.memref_squeeze %dma_wait3A_387 : memref<1x56xi32, #tpu.memory_space<vmem>> -> memref<56xi32, #tpu.memory_space<vmem>>
      %dma_wait3A_389 = arith.constant 0 : i32
      %dma_wait3A_390 = arith.constant 0 : i32
      %dma_wait3A_391 = tpu.memref_slice %arg7[%dma_wait3A_389, %dma_wait3A_390] : memref<8192x128xf32, #tpu.memory_space<vmem_shared>> -> memref<8192x128xf32, #tpu.memory_space<vmem_shared>>
      tpu.wait_indirect_dma semaphore(%arg17 : memref<!tpu.dma_semaphore, #tpu.memory_space<semaphore_mem>>) src(%dma_wait3A_391 : memref<8192x128xf32, #tpu.memory_space<vmem_shared>>) dst(%arg13 : memref<56x128xf32, #tpu.memory_space<vmem>>)
      %dma_start3A_392 = arith.constant 0 : i32
      %dma_start3A_393 = tpu.memref_slice %arg10[%add3A_385, %dma_start3A_392] : memref<72x56xi32, #tpu.memory_space<vmem>> -> memref<1x56xi32, #tpu.memory_space<vmem>>
      %dma_start3A_394 = tpu.memref_squeeze %dma_start3A_393 : memref<1x56xi32, #tpu.memory_space<vmem>> -> memref<56xi32, #tpu.memory_space<vmem>>
      %dma_start3A_395 = arith.constant 0 : i32
      %dma_start3A_396 = arith.constant 0 : i32
      %dma_start3A_397 = tpu.memref_slice %arg8[%dma_start3A_395, %dma_start3A_396] : memref<2064x128xf32, #tpu.memory_space<vmem_shared>> -> memref<2064x128xf32, #tpu.memory_space<vmem_shared>>
      tpu.enqueue_indirect_dma source(%arg13 : memref<56x128xf32, #tpu.memory_space<vmem>>) target(%dma_start3A_397 : memref<2064x128xf32, #tpu.memory_space<vmem_shared>>) offsets(%dma_start3A_394 : memref<56xi32, #tpu.memory_space<vmem>>) semaphore(%arg21 : memref<!tpu.dma_semaphore, #tpu.memory_space<semaphore_mem>>) {add = true}
      %add3A_398 = arith.constant 2 : i32
      %add3A_399 = arith.addi %add3A_385, %add3A_398 : i32
      %lt3A_400 = arith.constant 72 : i32
      %lt3A_401 = arith.cmpi slt, %add3A_399, %lt3A_400 : i32
      %convert_element_type3A_402 = arith.extui %lt3A_401 : i1 to i32
      %cond3A_403 = arith.constant 0 : i32
      %cond3A_404 = arith.cmpi ne, %convert_element_type3A_402, %cond3A_403 : i32
      scf.if %cond3A_404 {
        %sub3A = arith.constant 2 : i32
        %sub3A_426 = arith.subi %add3A_385, %sub3A : i32
        %dma_wait3A_427 = arith.constant 0 : i32
        %dma_wait3A_428 = tpu.memref_slice %arg10[%sub3A_426, %dma_wait3A_427] : memref<72x56xi32, #tpu.memory_space<vmem>> -> memref<1x56xi32, #tpu.memory_space<vmem>>
        %dma_wait3A_429 = tpu.memref_squeeze %dma_wait3A_428 : memref<1x56xi32, #tpu.memory_space<vmem>> -> memref<56xi32, #tpu.memory_space<vmem>>
        %dma_wait3A_430 = arith.constant 0 : i32
        %dma_wait3A_431 = arith.constant 0 : i32
        %dma_wait3A_432 = tpu.memref_slice %arg8[%dma_wait3A_430, %dma_wait3A_431] : memref<2064x128xf32, #tpu.memory_space<vmem_shared>> -> memref<2064x128xf32, #tpu.memory_space<vmem_shared>>
        tpu.wait_indirect_dma semaphore(%arg19 : memref<!tpu.dma_semaphore, #tpu.memory_space<semaphore_mem>>) src(%arg11 : memref<56x128xf32, #tpu.memory_space<vmem>>) dst(%dma_wait3A_432 : memref<2064x128xf32, #tpu.memory_space<vmem_shared>>)
        %add3A_433 = arith.constant 2 : i32
        %add3A_434 = arith.addi %add3A_385, %add3A_433 : i32
        %dma_start3A_435 = arith.constant 0 : i32
        %dma_start3A_436 = tpu.memref_slice %arg9[%add3A_434, %dma_start3A_435] : memref<72x56xi32, #tpu.memory_space<vmem>> -> memref<1x56xi32, #tpu.memory_space<vmem>>
        %dma_start3A_437 = tpu.memref_squeeze %dma_start3A_436 : memref<1x56xi32, #tpu.memory_space<vmem>> -> memref<56xi32, #tpu.memory_space<vmem>>
        %dma_start3A_438 = arith.constant 0 : i32
        %dma_start3A_439 = arith.constant 0 : i32
        %dma_start3A_440 = tpu.memref_slice %arg7[%dma_start3A_438, %dma_start3A_439] : memref<8192x128xf32, #tpu.memory_space<vmem_shared>> -> memref<8192x128xf32, #tpu.memory_space<vmem_shared>>
        tpu.enqueue_indirect_dma source(%dma_start3A_440 : memref<8192x128xf32, #tpu.memory_space<vmem_shared>>) target(%arg11 : memref<56x128xf32, #tpu.memory_space<vmem>>) offsets(%dma_start3A_437 : memref<56xi32, #tpu.memory_space<vmem>>) semaphore(%arg15 : memref<!tpu.dma_semaphore, #tpu.memory_space<semaphore_mem>>)
      } else {
      }
      %add3A_405 = arith.constant 3 : i32
      %add3A_406 = arith.addi %add3A_342, %add3A_405 : i32
      %dma_wait3A_407 = arith.constant 0 : i32
      %dma_wait3A_408 = tpu.memref_slice %arg9[%add3A_406, %dma_wait3A_407] : memref<72x56xi32, #tpu.memory_space<vmem>> -> memref<1x56xi32, #tpu.memory_space<vmem>>
      %dma_wait3A_409 = tpu.memref_squeeze %dma_wait3A_408 : memref<1x56xi32, #tpu.memory_space<vmem>> -> memref<56xi32, #tpu.memory_space<vmem>>
      %dma_wait3A_410 = arith.constant 0 : i32
      %dma_wait3A_411 = arith.constant 0 : i32
      %dma_wait3A_412 = tpu.memref_slice %arg7[%dma_wait3A_410, %dma_wait3A_411] : memref<8192x128xf32, #tpu.memory_space<vmem_shared>> -> memref<8192x128xf32, #tpu.memory_space<vmem_shared>>
      tpu.wait_indirect_dma semaphore(%arg18 : memref<!tpu.dma_semaphore, #tpu.memory_space<semaphore_mem>>) src(%dma_wait3A_412 : memref<8192x128xf32, #tpu.memory_space<vmem_shared>>) dst(%arg14 : memref<56x128xf32, #tpu.memory_space<vmem>>)
      %dma_start3A_413 = arith.constant 0 : i32
      %dma_start3A_414 = tpu.memref_slice %arg10[%add3A_406, %dma_start3A_413] : memref<72x56xi32, #tpu.memory_space<vmem>> -> memref<1x56xi32, #tpu.memory_space<vmem>>
      %dma_start3A_415 = tpu.memref_squeeze %dma_start3A_414 : memref<1x56xi32, #tpu.memory_space<vmem>> -> memref<56xi32, #tpu.memory_space<vmem>>
      %dma_start3A_416 = arith.constant 0 : i32
      %dma_start3A_417 = arith.constant 0 : i32
      %dma_start3A_418 = tpu.memref_slice %arg8[%dma_start3A_416, %dma_start3A_417] : memref<2064x128xf32, #tpu.memory_space<vmem_shared>> -> memref<2064x128xf32, #tpu.memory_space<vmem_shared>>
      tpu.enqueue_indirect_dma source(%arg14 : memref<56x128xf32, #tpu.memory_space<vmem>>) target(%dma_start3A_418 : memref<2064x128xf32, #tpu.memory_space<vmem_shared>>) offsets(%dma_start3A_415 : memref<56xi32, #tpu.memory_space<vmem>>) semaphore(%arg22 : memref<!tpu.dma_semaphore, #tpu.memory_space<semaphore_mem>>) {add = true}
      %add3A_419 = arith.constant 2 : i32
      %add3A_420 = arith.addi %add3A_406, %add3A_419 : i32
      %lt3A_421 = arith.constant 72 : i32
      %lt3A_422 = arith.cmpi slt, %add3A_420, %lt3A_421 : i32
      %convert_element_type3A_423 = arith.extui %lt3A_422 : i1 to i32
      %cond3A_424 = arith.constant 0 : i32
      %cond3A_425 = arith.cmpi ne, %convert_element_type3A_423, %cond3A_424 : i32
      scf.if %cond3A_425 {
        %sub3A = arith.constant 2 : i32
        %sub3A_426 = arith.subi %add3A_406, %sub3A : i32
        %dma_wait3A_427 = arith.constant 0 : i32
        %dma_wait3A_428 = tpu.memref_slice %arg10[%sub3A_426, %dma_wait3A_427] : memref<72x56xi32, #tpu.memory_space<vmem>> -> memref<1x56xi32, #tpu.memory_space<vmem>>
        %dma_wait3A_429 = tpu.memref_squeeze %dma_wait3A_428 : memref<1x56xi32, #tpu.memory_space<vmem>> -> memref<56xi32, #tpu.memory_space<vmem>>
        %dma_wait3A_430 = arith.constant 0 : i32
        %dma_wait3A_431 = arith.constant 0 : i32
        %dma_wait3A_432 = tpu.memref_slice %arg8[%dma_wait3A_430, %dma_wait3A_431] : memref<2064x128xf32, #tpu.memory_space<vmem_shared>> -> memref<2064x128xf32, #tpu.memory_space<vmem_shared>>
        tpu.wait_indirect_dma semaphore(%arg20 : memref<!tpu.dma_semaphore, #tpu.memory_space<semaphore_mem>>) src(%arg12 : memref<56x128xf32, #tpu.memory_space<vmem>>) dst(%dma_wait3A_432 : memref<2064x128xf32, #tpu.memory_space<vmem_shared>>)
        %add3A_433 = arith.constant 2 : i32
        %add3A_434 = arith.addi %add3A_406, %add3A_433 : i32
        %dma_start3A_435 = arith.constant 0 : i32
        %dma_start3A_436 = tpu.memref_slice %arg9[%add3A_434, %dma_start3A_435] : memref<72x56xi32, #tpu.memory_space<vmem>> -> memref<1x56xi32, #tpu.memory_space<vmem>>
        %dma_start3A_437 = tpu.memref_squeeze %dma_start3A_436 : memref<1x56xi32, #tpu.memory_space<vmem>> -> memref<56xi32, #tpu.memory_space<vmem>>
        %dma_start3A_438 = arith.constant 0 : i32
        %dma_start3A_439 = arith.constant 0 : i32
        %dma_start3A_440 = tpu.memref_slice %arg7[%dma_start3A_438, %dma_start3A_439] : memref<8192x128xf32, #tpu.memory_space<vmem_shared>> -> memref<8192x128xf32, #tpu.memory_space<vmem_shared>>
        tpu.enqueue_indirect_dma source(%dma_start3A_440 : memref<8192x128xf32, #tpu.memory_space<vmem_shared>>) target(%arg12 : memref<56x128xf32, #tpu.memory_space<vmem>>) offsets(%dma_start3A_437 : memref<56xi32, #tpu.memory_space<vmem>>) semaphore(%arg16 : memref<!tpu.dma_semaphore, #tpu.memory_space<semaphore_mem>>)
      } else {
      }
    }
    %scan3A_305 = arith.constant 17 : i32
    %dma_wait3A_306 = arith.constant 68 : i32
    %dma_wait3A_307 = arith.constant 0 : i32
    %dma_wait3A_308 = tpu.memref_slice %arg10[%dma_wait3A_306, %dma_wait3A_307] : memref<72x56xi32, #tpu.memory_space<vmem>> -> memref<1x56xi32, #tpu.memory_space<vmem>>
    %dma_wait3A_309 = tpu.memref_squeeze %dma_wait3A_308 : memref<1x56xi32, #tpu.memory_space<vmem>> -> memref<56xi32, #tpu.memory_space<vmem>>
    %dma_wait3A_310 = arith.constant 0 : i32
    %dma_wait3A_311 = arith.constant 0 : i32
    %dma_wait3A_312 = tpu.memref_slice %arg8[%dma_wait3A_310, %dma_wait3A_311] : memref<2064x128xf32, #tpu.memory_space<vmem_shared>> -> memref<2064x128xf32, #tpu.memory_space<vmem_shared>>
    tpu.wait_indirect_dma semaphore(%arg19 : memref<!tpu.dma_semaphore, #tpu.memory_space<semaphore_mem>>) src(%arg11 : memref<56x128xf32, #tpu.memory_space<vmem>>) dst(%dma_wait3A_312 : memref<2064x128xf32, #tpu.memory_space<vmem_shared>>)
    %dma_wait3A_313 = arith.constant 69 : i32
    %dma_wait3A_314 = arith.constant 0 : i32
    %dma_wait3A_315 = tpu.memref_slice %arg10[%dma_wait3A_313, %dma_wait3A_314] : memref<72x56xi32, #tpu.memory_space<vmem>> -> memref<1x56xi32, #tpu.memory_space<vmem>>
    %dma_wait3A_316 = tpu.memref_squeeze %dma_wait3A_315 : memref<1x56xi32, #tpu.memory_space<vmem>> -> memref<56xi32, #tpu.memory_space<vmem>>
    %dma_wait3A_317 = arith.constant 0 : i32
    %dma_wait3A_318 = arith.constant 0 : i32
    %dma_wait3A_319 = tpu.memref_slice %arg8[%dma_wait3A_317, %dma_wait3A_318] : memref<2064x128xf32, #tpu.memory_space<vmem_shared>> -> memref<2064x128xf32, #tpu.memory_space<vmem_shared>>
    tpu.wait_indirect_dma semaphore(%arg20 : memref<!tpu.dma_semaphore, #tpu.memory_space<semaphore_mem>>) src(%arg12 : memref<56x128xf32, #tpu.memory_space<vmem>>) dst(%dma_wait3A_319 : memref<2064x128xf32, #tpu.memory_space<vmem_shared>>)
    %dma_wait3A_320 = arith.constant 70 : i32
    %dma_wait3A_321 = arith.constant 0 : i32
    %dma_wait3A_322 = tpu.memref_slice %arg10[%dma_wait3A_320, %dma_wait3A_321] : memref<72x56xi32, #tpu.memory_space<vmem>> -> memref<1x56xi32, #tpu.memory_space<vmem>>
    %dma_wait3A_323 = tpu.memref_squeeze %dma_wait3A_322 : memref<1x56xi32, #tpu.memory_space<vmem>> -> memref<56xi32, #tpu.memory_space<vmem>>
    %dma_wait3A_324 = arith.constant 0 : i32
    %dma_wait3A_325 = arith.constant 0 : i32
    %dma_wait3A_326 = tpu.memref_slice %arg8[%dma_wait3A_324, %dma_wait3A_325] : memref<2064x128xf32, #tpu.memory_space<vmem_shared>> -> memref<2064x128xf32, #tpu.memory_space<vmem_shared>>
    tpu.wait_indirect_dma semaphore(%arg21 : memref<!tpu.dma_semaphore, #tpu.memory_space<semaphore_mem>>) src(%arg13 : memref<56x128xf32, #tpu.memory_space<vmem>>) dst(%dma_wait3A_326 : memref<2064x128xf32, #tpu.memory_space<vmem_shared>>)
    %dma_wait3A_327 = arith.constant 71 : i32
    %dma_wait3A_328 = arith.constant 0 : i32
    %dma_wait3A_329 = tpu.memref_slice %arg10[%dma_wait3A_327, %dma_wait3A_328] : memref<72x56xi32, #tpu.memory_space<vmem>> -> memref<1x56xi32, #tpu.memory_space<vmem>>
    %dma_wait3A_330 = tpu.memref_squeeze %dma_wait3A_329 : memref<1x56xi32, #tpu.memory_space<vmem>> -> memref<56xi32, #tpu.memory_space<vmem>>
    %dma_wait3A_331 = arith.constant 0 : i32
    %dma_wait3A_332 = arith.constant 0 : i32
    %dma_wait3A_333 = tpu.memref_slice %arg8[%dma_wait3A_331, %dma_wait3A_332] : memref<2064x128xf32, #tpu.memory_space<vmem_shared>> -> memref<2064x128xf32, #tpu.memory_space<vmem_shared>>
    tpu.wait_indirect_dma semaphore(%arg22 : memref<!tpu.dma_semaphore, #tpu.memory_space<semaphore_mem>>) src(%arg14 : memref<56x128xf32, #tpu.memory_space<vmem>>) dst(%dma_wait3A_333 : memref<2064x128xf32, #tpu.memory_space<vmem_shared>>)
    %barrier3A_334 = arith.constant 0 : index
    tpu.barrier barrier_id(%barrier3A_334)
    %mul3A_335 = arith.constant 128 : i32
    %mul3A_336 = arith.muli %arg1, %mul3A_335 : i32
    %run_scoped3A_337 = arith.constant 1 : i32
    "tpu.region"() ({
      %run_scoped3A_338 = tpu.sem_alloc : memref<!tpu.dma_semaphore, #tpu.memory_space<semaphore_mem>>
      %dma_start3A_339 = arith.constant 0 : i32
      %dma_start3A_340 = tpu.memref_slice %arg6[%arg0, %run_scoped3A_337, %mul3A_336, %dma_start3A_339] : memref<2x2x2048x128xf32, #tpu.memory_space<hbm>> -> memref<1x1x128x128xf32, #tpu.memory_space<hbm>>
      %dma_start3A_341 = tpu.memref_squeeze %dma_start3A_340 : memref<1x1x128x128xf32, #tpu.memory_space<hbm>> -> memref<128x128xf32, #tpu.memory_space<hbm>>
      %dma_start3A_342 = arith.constant 0 : i32
      %dma_start3A_343 = tpu.memref_slice %arg8[%mul3A_336, %dma_start3A_342] : memref<2064x128xf32, #tpu.memory_space<vmem_shared>> -> memref<128x128xf32, #tpu.memory_space<vmem_shared>>
      tpu.enqueue_dma source(%dma_start3A_343 : memref<128x128xf32, #tpu.memory_space<vmem_shared>>) target(%dma_start3A_341 : memref<128x128xf32, #tpu.memory_space<hbm>>) target_semaphore(%run_scoped3A_338 : memref<!tpu.dma_semaphore, #tpu.memory_space<semaphore_mem>>)
      %dma_wait3A_344 = arith.constant 0 : i32
      %dma_wait3A_345 = tpu.memref_slice %arg6[%arg0, %run_scoped3A_337, %mul3A_336, %dma_wait3A_344] : memref<2x2x2048x128xf32, #tpu.memory_space<hbm>> -> memref<1x1x128x128xf32, #tpu.memory_space<hbm>>
      %dma_wait3A_346 = tpu.memref_squeeze %dma_wait3A_345 : memref<1x1x128x128xf32, #tpu.memory_space<hbm>> -> memref<128x128xf32, #tpu.memory_space<hbm>>
      %dma_wait3A_347 = arith.constant 0 : i32
      %dma_wait3A_348 = tpu.memref_slice %arg8[%mul3A_336, %dma_wait3A_347] : memref<2064x128xf32, #tpu.memory_space<vmem_shared>> -> memref<128x128xf32, #tpu.memory_space<vmem_shared>>
      tpu.wait_dma2 semaphore(%run_scoped3A_338 : memref<!tpu.dma_semaphore, #tpu.memory_space<semaphore_mem>>) src(%dma_wait3A_348 : memref<128x128xf32, #tpu.memory_space<vmem_shared>>) dst(%dma_wait3A_346 : memref<128x128xf32, #tpu.memory_space<hbm>>)
      tpu.yield
    }) : () -> ()
    return
  }
}

</mosaic_0001>

<sc_bundles>
// kernel: kernel.3.cloned.1.call-start
scs
__scs_entry_jumppad:
0x0: {  	(pc) =	sbr.rel $0x88, $3  }
0x1: {  	(tag) =	ssettag $0x0;
	lr =	simm.s32 $0x1  }
0x2: {  	[smem:$0x3F9E] =	sst lr;
	_ =	strace $0xD0000000  }
0x3: {  	_ = 	snop  }
0x4: {  	_ = 	snop  }
0x5: {  	_ = 	snop  }
0x6: {  	_ = 	snop  }
0x7: {  	_ = 	snop  }
__scs_overlays_trampoline_lowered:
0x8: {  	[smem:$0x3FAD] =	sst s0  }
0x9: {  	[smem:$0x3FAE] =	sst s1  }
0xa: {  	[smem:$0x3FAF] =	sst s2  }
0xb: {  	[smem:$0x3FB0] =	sst s3  }
0xc: {  	[smem:$0x3FB1] =	sst s4  }
0xd: {  	[smem:$0x3FB2] =	sst s5  }
0xe: {  	[smem:$0x3FB3] =	sst s6  }
0xf: {  	[smem:$0x3FB4] =	sst s7  }
0x10: {  	[smem:$0x3FB5] =	sst s8  }
0x11: {  	[smem:$0x3FB6] =	sst s9;
	s0 =	simm.s32 @!p0 $0x0  }
0x12: {  	s1 =	sld [smem:$0x3F9C];
	s0 =	simm.s32 @p0 $0x1  }
0x13: {  	[smem:$0x3FB7] =	sst s0;
	s0 =	simm.s32 @!p1 $0x0  }
0x14: {  	s2 =	sld [smem:$0x3F9B];
	s0 =	simm.s32 @p1 $0x1  }
0x15: {  	[smem:$0x3FB8] =	sst s0;
	s0 =	simm.s32 @!p2 $0x0  }
0x16: {  	s3 =	sld [smem:$0x3FDB];
	s0 =	simm.s32 @p2 $0x1  }
0x17: {  	s4 =	simm.s32 $0x1BF5;
	[smem:$0x3FBA] =	sst s0  }
0x18: {  	s0 =	sld [smem:$0x3F9D];
	_ =	swait.ge [sflag:s4], $0x0  }
0x19: {  	s7 =	sld [smem:$0x3F9E]  }
0x1a: {  	s8 =	sadd.s32 $0xFFFFE003, lr  }
0x1b: {  	s9 =	sadd.s32 $0xFFFFFEF7, lr;
	s5 =	simm.s32 $0xFFFFFFFF;
	p2 =	slt.u32 s8, $0xFFFFF086  }
0x1c: {  	p1 =	slt.u32 s9, $0xF7A;
	s5 =	simm.s32 @!p2 $0x0  }
0x1d: {  	s5 =	simm.s32 @p1 $0x1;
	p0 =	seq.s32 s7, s2  }
0x1e: {  	s7 =	smul.u32 @!p0 $0xF7A, s2;
	p2 =	seq.s32 @!p0 s5, $0x0  }
0x1f: {  	s9 =	smul.u32 $0xF7A, s1;
	s8 =	simm.s32 @!p0 $0x1BF5;
	p2 =	por !p2, p0  }
0x20: {  	[sflag:s8] =	ssyncset.s32 @!p0 $0xFFFFF086;
	s6 =	sadd.s32 @!p0 s3, s7;
	s7 =	simm.s32 @!p0 $0x108  }
0x21: {  	s3 =	sadd.s32 s3, s9;
	s6 =	sadd.s32 @!p0 $0x88, s6;
	s7 =	simm.s32 @p2 $0x1082  }
0x22: {  	[simem:s7], [sflag:s8] =	dma.local @!p0 [hbm:s6], $0xF7A  }
0x23: {  	s9 =	sor.u32 $0xD0000000, s2;
	s6 =	simm.s32 $0x108;
	_ =	swait.ge @!p0 [sflag:s8], $0x0  }
0x24: {  	s3 =	sadd.s32 $0x88, s3;
	s6 =	simm.s32 @!p1 $0x1082;
	[sflag:s4] =	ssyncset.s32 $0xFFFFF086  }
0x25: {  	[simem:s6], [sflag:s4] =	dma.local [hbm:s3], $0xF7A  }
0x26: {  	[smem:$0x3F9E] =	sst s1;
	(tag) =	ssettag s2;
	_ =	strace s9  }
0x27: {  	s1 =	sld [smem:$0x3FAE]  }
0x28: {  	s2 =	sld [smem:$0x3FAF]  }
0x29: {  	s4 =	sld [smem:$0x3FB1]  }
0x2a: {  	p0 =	seq.s32 s5, $0x0;
	s5 =	sld [smem:$0x3FB2]  }
0x2b: {  	s6 =	sld [smem:$0x3FB3]  }
0x2c: {  	s7 =	sld [smem:$0x3FB4]  }
0x2d: {  	s3 =	simm.s32 $0x108;
	s8 =	sld [smem:$0x3FB5]  }
0x2e: {  	s3 =	simm.s32 @!p0 $0x1082;
	s9 =	sld [smem:$0x3FB6]  }
0x2f: {  	lr =	sadd.s32 s0, s3;
	s0 =	sld [smem:$0x3FAD]  }
0x30: {  	s3 =	sld [smem:$0x3FB0]  }
0x31: {  	[smem:$0x3FB9] =	sst s10  }
0x32: {  	s10 =	sld [smem:$0x3FB7];
	_ =	sdelay $0x3  }
0x33: {  	p0 =	seq.s32 s10, $0x1;
	s10 =	sld [smem:$0x3FB9];
	_ =	sdelay $0x3  }
0x34: {  	[smem:$0x3FB9] =	sst s10  }
0x35: {  	s10 =	sld [smem:$0x3FB8];
	_ =	sdelay $0x3  }
0x36: {  	p1 =	seq.s32 s10, $0x1;
	s10 =	sld [smem:$0x3FB9];
	_ =	sdelay $0x3  }
0x37: {  	[smem:$0x3FB9] =	sst s10  }
0x38: {  	s10 =	sld [smem:$0x3FBA]  }
0x39: {  	_ = 	snop;
	(pc) =	sbr.ind lr, $3  }
0x3a: {  	_ = 	snop  }
0x3b: {  	_ = 	snop  }
0x3c: {  	p2 =	seq.s32 s10, $0x1;
	s10 =	sld [smem:$0x3FB9]  }
0x3d: {  	_ =	shalt  }
0x3e: {  	_ =	shalt  }
0x3f: {  	_ =	shalt  }
0x40: {  	_ =	shalt  }
0x41: {  	_ =	shalt  }
0x42: {  	_ =	shalt  }
0x43: {  	_ =	shalt  }
0x44: {  	_ =	shalt  }
0x45: {  	_ =	shalt  }
0x46: {  	_ =	shalt  }
0x47: {  	_ =	shalt  }
0x48: {  	_ =	shalt  }
0x49: {  	_ =	shalt  }
0x4a: {  	_ =	shalt  }
0x4b: {  	_ =	shalt  }
0x4c: {  	_ =	shalt  }
0x4d: {  	_ =	shalt  }
0x4e: {  	_ =	shalt  }
0x4f: {  	_ =	shalt  }
0x50: {  	_ =	shalt  }
0x51: {  	_ =	shalt  }
0x52: {  	_ =	shalt  }
0x53: {  	_ =	shalt  }
0x54: {  	_ =	shalt  }
0x55: {  	_ =	shalt  }
0x56: {  	_ =	shalt  }
0x57: {  	_ =	shalt  }
0x58: {  	_ =	shalt  }
0x59: {  	_ =	shalt  }
0x5a: {  	_ =	shalt  }
0x5b: {  	_ =	shalt  }
0x5c: {  	_ =	shalt  }
0x5d: {  	_ =	shalt  }
0x5e: {  	_ =	shalt  }
0x5f: {  	_ =	shalt  }
0x60: {  	_ =	shalt  }
0x61: {  	_ =	shalt  }
0x62: {  	_ =	shalt  }
0x63: {  	_ =	shalt  }
0x64: {  	_ =	shalt  }
0x65: {  	_ =	shalt  }
0x66: {  	_ =	shalt  }
0x67: {  	_ =	shalt  }
0x68: {  	_ =	shalt  }
0x69: {  	_ =	shalt  }
0x6a: {  	_ =	shalt  }
0x6b: {  	_ =	shalt  }
0x6c: {  	_ =	shalt  }
0x6d: {  	_ =	shalt  }
0x6e: {  	_ =	shalt  }
0x6f: {  	_ =	shalt  }
0x70: {  	_ =	shalt  }
0x71: {  	_ =	shalt  }
0x72: {  	_ =	shalt  }
0x73: {  	_ =	shalt  }
0x74: {  	_ =	shalt  }
0x75: {  	_ =	shalt  }
0x76: {  	_ =	shalt  }
0x77: {  	_ =	shalt  }
0x78: {  	_ =	shalt  }
0x79: {  	_ =	shalt  }
0x7a: {  	_ =	shalt  }
0x7b: {  	_ =	shalt  }
0x7c: {  	_ =	shalt  }
0x7d: {  	_ =	shalt  }
0x7e: {  	_ =	shalt  }
0x7f: {  	_ =	shalt  }
0x80: {  	_ =	shalt  }
0x81: {  	_ =	shalt  }
0x82: {  	_ =	shalt  }
0x83: {  	_ =	shalt  }
0x84: {  	_ =	shalt  }
0x85: {  	_ =	shalt  }
0x86: {  	_ =	shalt  }
0x87: {  	_ =	shalt  }
.Lfunc_end0:
.L_simem_size_0:
called_computation_lowered:
.L_overlay_start_0:
0x88: {  	s2 =	sld [smem:$0x3FD9]  }
0x89: {  	s3 =	sld [smem:$0x3FFE];
	_ =	sdelay $0x1  }
0x8a: {  	s1 =	srdreg.scid  }
0x8b: {  	s0 =	sand.u32 $0x1, s1  }
0x8c: {  	s17 =	sshll.u32 s0, $0xA;
	s2 =	sadd.s32 s3, s2  }
0x8d: {  	s2 =	sadd.s32 s2, s17  }
0x8e: {  	[smem:$0x3FC5] =	sst s2  }
0x8f: {  	_ = 	snop  }
0x90: {  	s2 =	sld [smem:$0x3FC9]  }
0x91: {  	s18 =	sld [smem:$0x3FD0];
	(tm) =	ssettm $0x1  }
0x92: {  	s4 =	sld [smem:$0x3FFB];
	_ =	sdelay $0x3  }
0x93: {  	_ =	strace s4  }
0x94: {  	s4 =	sld [smem:$0x3FFC];
	_ =	sdelay $0x3  }
0x95: {  	_ =	strace s4  }
0x96: {  	s4 =	sld [smem:$0x3FFD];
	_ =	sdelay $0x3  }
0x97: {  	_ =	strace s4  }
0x98: {  	_ =	strace $0x8FFFFFFF  }
0x99: {  	s19 =	sld [smem:$0x3FDB];
	_ =	sdelay $0x1  }
0x9a: {  	s5 =	simm.s32 $_scs_section_size  }
0x9b: {  	s6 =	simm.s32 $_size__tile_overlayer_lowered;
	s7 =	simm.s32 $_tile_overlayer_lowered  }
0x9c: {  	s22 =	simm.s32 $0x1BFF;
	s21 =	sshll.u32 s7, $0x1;
	s4 =	sadd.s32 s5, s19  }
0x9d: {  	s8 =	simm.s32 $0x0;
	s20 =	sshll.u32 s6, $0x1;
	s6 =	sadd.s32 s21, s4  }
0x9e: {  	[timem:s8], [sflag:s22] =	dma.local [hbm:s6], s20  }
0x9f: {  	_ =	swait.ge [sflag:s22], s20  }
0xa0: {  	s5 =	ssub.s32 $0x0, s20;
	[sflag:s22] =	ssyncset.done $0x0  }
0xa1: {  	[sflag:s22] =	ssyncadd.s32 s5;
	_ =	sdelay $0x1  }
0xa2: {  	s23 =	simm.s32 $0x1B8B  }
0xa3: {  	_ =	swait.ge [sflag:s23], $0x1  }
0xa4: {  	[sflag:s23] =	ssyncset.done $0x0  }
0xa5: {  	s25 =	simm.s32 $0x1B8E;
	s24 =	sld [smem:$0x3FFE];
	[sflag:s23] =	ssyncadd.s32 $0xFFFFFFFF  }
0xa6: {  	s26 =	simm.s32 $execute0_lowered;
	[smem:$0x3FD2] =	sst s25  }
0xa7: {  	s6 =	sshll.u32 s26, $0x1;
	_ =	strace $0x80000046;
	[dreg:$0x1] =	wrdreg $0xFFFFFFFF  }
0xa8: {  	s28 =	simm.s32 $_size_execute0_lowered;
	s4 =	sadd.s32 s4, s6;
	[dreg:$0x0] =	wrdreg $0x0  }
0xa9: {  	s6 =	sshll.u32 s28, $0x1;
	[dreg:$0x2] =	wrdreg s4  }
0xaa: {  	[dreg:$0x3] =	wrdreg s6  }
0xab: {  	[dreg:$0x4] =	wrdreg $0xC0  }
0xac: {  	_ =	task [dreg:s8], $0x5FFFF  }
0xad: {  	[dreg:$0x1] =	wrdreg $0xFFFFFFFF  }
0xae: {  	[dreg:$0x0] =	wrdreg $0x60  }
0xaf: {  	[dreg:$0x2] =	wrdreg s2  }
0xb0: {  	[dreg:$0x3] =	wrdreg s24  }
0xb1: {  	[dreg:$0x4] =	wrdreg s18  }
0xb2: {  	[dreg:$0x5] =	wrdreg $0x0  }
0xb3: {  	[dreg:$0x6] =	wrdreg $0x100000  }
0xb4: {  	[dreg:$0x7] =	wrdreg $0x9  }
0xb5: {  	_ =	task.clear_ibuf [dreg:s8], $0x8FFFF;
	_ =	strace $0x90000046  }
0xb6: {  	s29 =	simm.s32 $0x9;
	_ =	strace $0x80000048  }
0xb7: {  	_ =	swait.ge [sflag:s29], $0x1  }
0xb8: {  	[sflag:s29] =	ssyncadd.s32 $0xFFFFFFFF  }
0xb9: {  	_ =	strace $0x90000048  }
0xba: {  	_ =	sfence  }
0xbb: {  	s30 =	sld [smem:$0x0];
	_ =	sdelay $0x2  }
0xbc: {  	s31 =	sshll.u32 s1, $0xD;
	s1 =	sshrl.u32 s1, $0x2  }
0xbd: {  	s3 =	sand.u32 $0x4000, s31;
	s1 =	sadd.s32 s1, s30  }
0xbe: {  	s0 =	sor.u32 s3, s0;
	s1 =	sshll.u32 s1, $0x11  }
0xbf: {  	s0 =	sor.u32 s1, s0  }
0xc0: {  	s0 =	sadd.s32 $0x8F2B, s0  }
0xc1: {  	[sflag:s0] =	ssyncadd.remote.s32 $0x1  }
0xc2: {  	_ =	sfence.sel $0xFFFF  }
0xc3: {  	[dreg:$0x0] =	wrdreg $0xFFFFFFFF;
	(pc) =	sbr.abs _section_cstart, $3  }
0xc4: {  	[dreg:$0x1] =	wrdreg $0xFFFFFFFF  }
0xc5: {  	_ =	task.clear_ibuf [dreg:s8], $0x2FFFF;
	_ =	strace $0x9FFFFFFF  }
0xc6: {  	(tm) =	ssettm $0x7FFFFFFF  }
0xc7: {  	_ =	shalt  }
tec
execute0_lowered:
.L_overlay_start_1:
0x0: {  	(tag) =	ssettag $0x1  }
0x1: {  	s0 =	rddreg [dreg:$0x0]  }
0x2: {  	s2 =	rddreg [dreg:$0x1]  }
0x3: {  	s6 =	rddreg [dreg:$0x2]  }
0x4: {  	s1 =	rddreg [dreg:$0x3]  }
0x5: {  	s3 =	rddreg [dreg:$0x4]  }
0x6: {  	s4 =	simm.s32 $0x0;
	s15 =	stileid.u32;
	s7 =	srdreg.scid  }
0x7: {  	s17 =	simm.s32 $0x14080;
	s18 =	simm.s32 $0x9;
	s19 =	simm.s32 $0x16480  }
0x8: {  	s20 =	simm.s32 $0x1A480;
	s29 =	simm.s32 $0x1C080;
	s30 =	simm.s32 $0x2  }
0x9: {  	s16 =	simm.s32 $0x4;
	s28 =	simm.s32 $0x6;
	[smem:$0x7FF] =	sst s4  }
0xa: {  	s5 =	smul.u32 $0x480, s15;
	s8 =	sand.u32 $0x1, s7;
	s12 =	sshll.u32 s15, $0x10  }
0xb: {  	s13 =	sshll.u32 s15, $0xB;
	p0 =	sne.s32 s15, $0xF;
	s31 =	sshll.u32 s15, $0x6  }
0xc: {  	_ =	strace $0x80000047;
	s7 =	ssub.s32 $0x2, s8;
	s10 =	sshrl.u32 s12, $0x2  }
0xd: {  	s23 =	sshll.u32 s8, $0x15;
	s8 =	sshll.u32 s8, $0x10;
	s25 =	sadd.s32 s12, s1  }
0xe: {  	s9 =	sadd.s32 s5, s2;
	s5 =	sadd.s32 $0x9400, s2;
	s21 =	sshrl.u32 s7, $0x1  }
0xf: {  	s11 =	sor.u32 s12, s23;
	s8 =	sor.u32 s13, s8;
	s23 =	simm.s32 $0x38  }
0x10: {  	s12 =	simm.s32 $0x8;
	s2 =	ssub.s32 s7, s21;
	s22 =	sadd.s32 $0x4C00, s9  }
0x11: {  	s7 =	sadd.s32 s10, s3;
	s9 =	sadd.s32 $0x400, s9;
	s14 =	sshrl.u32 s11, $0x3  }
0x12: {  	s11 =	sadd.s32 $0x40000, s3;
	s6 =	sadd.s32 s6, s8;
	[dreg:$0x6] =	wrdreg s22  }
0x13: {  	s21 =	sor.u32 $0x1C09, s31;
	s8 =	simm.s32 $0x0;
	[dreg:$0x7] =	wrdreg s9  }
0x14: {  	s9 =	sadd.s32 $0x1C00, s7;
	s10 =	sadd.s32 $0x3800, s7;
	s24 =	sadd.s32 s0, s14  }
0x15: {  	[dreg:$0x9] =	wrdreg s6;
	s6 =	sadd.s32 $0x8000, s6;
	s2 =	smax.u32 s2, $0x1  }
0x16: {  	s22 =	sshrl.u32 s25, $0x3;
	s14 =	simm.s32 $0x5;
	[dreg:$0x8] =	wrdreg s24  }
0x17: {  	s0 =	simm.s32 $0x7;
	s26 =	sadd.s32 $0x20000, s24;
	[dreg:$0xb] =	wrdreg s6  }
0x18: {  	[dreg:$0xc] =	wrdreg s2;
	s24 =	simm.s32 $0x18880;
	s2 =	simm.s32 $0x1DC80  }
0x19: {  	s6 =	simm.s32 $0x3;
	[dreg:$0xa] =	wrdreg s26;
	s26 =	simm.s32 $0x1  }
.LBB2_1:
0x1a: {  	s13 =	rddreg [dreg:$0x6]  }
0x1b: {  	[tilespmem:s17], [sflag:$0x9] =	stream.linear.gather [hbm4b:s13+s4], $0x2400, $0x38;
	[tilespmem:$0x1F880] =	vst v63  }
0x1c: {  	_ =	swait.ge [sflag:s18], $0x2400  }
0x1d: {  	[sflag:s18] =	ssyncset.done $0x0  }
0x1e: {  	s25 =	rddreg [dreg:$0x7];
	[sflag:s18] =	ssyncadd.s32 $0xFFFFDC00  }
0x1f: {  	[tilespmem:s19], [sflag:$0x9] =	stream.linear.gather [hbm4b:s25+s4], $0x2400, $0x38;
	[tilespmem:$0x1F880] =	vst v63  }
0x20: {  	_ =	swait.ge [sflag:s18], $0x2400  }
0x21: {  	[sflag:s18] =	ssyncset.done $0x0  }
0x22: {  	[sflag:s18] =	ssyncadd.s32 $0xFFFFDC00  }
0x23: {  	[tilespmem:s20], [sflag:$0x9] =	stream.linear.gather [hbm4b:s5+s4], $0x1C00, $0x38;
	[tilespmem:$0x1F880] =	vst v63  }
0x24: {  	_ =	swait.ge [sflag:s18], $0x1C00  }
0x25: {  	[sflag:s18] =	ssyncset.done $0x0  }
0x26: {  	[sflag:s18] =	ssyncadd.s32 $0xFFFFE400  }
0x27: {  	[spmem:s7] =	stream.linear.scatter [tilespmem:s20], [sflag:$0x9], $0x1C00, $0x38;
	[tilespmem:$0x1F880] =	vst v63  }
0x28: {  	_ =	swait.ge [sflag:s18], $0x1C00  }
0x29: {  	[sflag:s18] =	ssyncset.done $0x0  }
0x2a: {  	[sflag:s18] =	ssyncadd.s32 $0xFFFFE400  }
0x2b: {  	[spmem:s9] =	stream.linear.scatter [tilespmem:s20], [sflag:$0x9], $0x1C00, $0x38;
	[tilespmem:$0x1F880] =	vst v63  }
0x2c: {  	_ =	swait.ge [sflag:s18], $0x1C00  }
0x2d: {  	[sflag:s18] =	ssyncset.done $0x0  }
0x2e: {  	[sflag:s18] =	ssyncadd.s32 $0xFFFFE400  }
0x2f: {  	[spmem:s10] =	stream.linear.scatter [tilespmem:s20], [sflag:$0x9], $0x800, $0x38;
	[tilespmem:$0x1F880] =	vst v63  }
0x30: {  	_ =	swait.ge [sflag:s18], $0x800  }
0x31: {  	[sflag:s18] =	ssyncset.done $0x0  }
0x32: {  	s15 =	simm.s32 @!p0 $0x1A480;
	[sflag:s18] =	ssyncadd.s32 $0xFFFFF800  }
0x33: {  	[spmem:s11] =	stream.linear.scatter @!p0 [tilespmem:s15], [sflag:$0x9], $0x800, $0x38;
	[tilespmem:$0x1F880] =	vst v63  }
0x34: {  	s15 =	simm.s32 @!p0 $0x9  }
0x35: {  	_ =	swait.ge @!p0 [sflag:s15], $0x800  }
0x36: {  	[sflag:s15] =	ssyncset.done @!p0 $0x0  }
0x37: {  	s31 =	rddreg [dreg:$0x8];
	[sflag:s15] =	ssyncadd.s32 @!p0 $0xFFFFF800  }
0x38: {  	[spmem:s22], [sflag:s21] =	dma.local [hbm:s31], $0x2000  }
0x39: {  	_ =	swait.ge [sflag:s18], $0x2000  }
0x3a: {  	[sflag:s18] =	ssyncset.done $0x0  }
0x3b: {  	[sflag:s18] =	ssyncadd.s32 $0xFFFFE000  }
0x3c: {  	[bflag:$0x0] =	sbarrier.arrive $0xFFFF  }
0x3d: {  	[tilespmem:s24], [sflag:$0x1] =	stream.indirect.gather [spmem:s1], $0x80, s17, s23, $0xb8;
	[tilespmem:$0x1F880] =	vst v63  }
0x3e: {  	s15 =	simm.s32 $0x14100  }
0x3f: {  	[tilespmem:s20], [sflag:$0x2] =	stream.indirect.gather [spmem:s1], $0x80, s15, s23, $0xb8;
	[tilespmem:$0x1F880] =	vst v63  }
0x40: {  	_ =	swait.ge [sflag:s26], $0x1C00  }
0x41: {  	[sflag:s26] =	ssyncset.done $0x0  }
0x42: {  	[sflag:s26] =	ssyncadd.s32 $0xFFFFE400  }
0x43: {  	[spmem:s3] =	stream.indirect.scatter.add.f32 [tilespmem:s24], [sflag:$0x5], $0x80, s19, s23, $0xb8;
	[tilespmem:$0x1F880] =	vst v63  }
0x44: {  	s25 =	simm.s32 $0x14180  }
0x45: {  	[tilespmem:s29], [sflag:$0x3] =	stream.indirect.gather [spmem:s1], $0x80, s25, s23, $0xb8;
	[tilespmem:$0x1F880] =	vst v63  }
0x46: {  	_ =	swait.ge [sflag:s30], $0x1C00  }
0x47: {  	[sflag:s30] =	ssyncset.done $0x0  }
0x48: {  	s31 =	simm.s32 $0x16500;
	[sflag:s30] =	ssyncadd.s32 $0xFFFFE400  }
0x49: {  	[spmem:s3] =	stream.indirect.scatter.add.f32 [tilespmem:s20], [sflag:$0x6], $0x80, s31, s23, $0xb8;
	[tilespmem:$0x1F880] =	vst v63  }
0x4a: {  	s15 =	simm.s32 $0x14200  }
0x4b: {  	[tilespmem:s2], [sflag:$0x4] =	stream.indirect.gather [spmem:s1], $0x80, s15, s23, $0xb8;
	[tilespmem:$0x1F880] =	vst v63  }
0x4c: {  	_ =	swait.ge [sflag:s6], $0x1C00  }
0x4d: {  	[sflag:s6] =	ssyncset.done $0x0  }
0x4e: {  	s25 =	simm.s32 $0x16580;
	[sflag:s6] =	ssyncadd.s32 $0xFFFFE400  }
0x4f: {  	[spmem:s3] =	stream.indirect.scatter.add.f32 [tilespmem:s29], [sflag:$0x7], $0x80, s25, s23, $0xb8;
	[tilespmem:$0x1F880] =	vst v63  }
0x50: {  	_ =	swait.ge [sflag:s14], $0x1C00  }
0x51: {  	[sflag:s14] =	ssyncset.done $0x0  }
0x52: {  	s31 =	simm.s32 $0x14280;
	[sflag:s14] =	ssyncadd.s32 $0xFFFFE400  }
0x53: {  	[tilespmem:s24], [sflag:$0x1] =	stream.indirect.gather [spmem:s1], $0x80, s31, s23, $0xb8;
	[tilespmem:$0x1F880] =	vst v63  }
0x54: {  	_ =	swait.ge [sflag:s16], $0x1C00  }
0x55: {  	[sflag:s16] =	ssyncset.done $0x0  }
0x56: {  	s15 =	simm.s32 $0x16600;
	[sflag:s16] =	ssyncadd.s32 $0xFFFFE400  }
0x57: {  	[spmem:s3] =	stream.indirect.scatter.add.f32 [tilespmem:s2], [sflag:$0x8], $0x80, s15, s23, $0xb8;
	[tilespmem:$0x1F880] =	vst v63  }
0x58: {  	_ =	swait.ge [sflag:s28], $0x1C00  }
0x59: {  	[sflag:s28] =	ssyncset.done $0x0  }
0x5a: {  	s25 =	simm.s32 $0x14300;
	[sflag:s28] =	ssyncadd.s32 $0xFFFFE400  }
0x5b: {  	[tilespmem:s20], [sflag:$0x2] =	stream.indirect.gather [spmem:s1], $0x80, s25, s23, $0xb8;
	[tilespmem:$0x1F880] =	vst v63  }
0x5c: {  	_ =	swait.ge [sflag:s26], $0x1C00  }
0x5d: {  	[sflag:s26] =	ssyncset.done $0x0  }
0x5e: {  	s31 =	simm.s32 $0x16680;
	[sflag:s26] =	ssyncadd.s32 $0xFFFFE400  }
0x5f: {  	[spmem:s3] =	stream.indirect.scatter.add.f32 [tilespmem:s24], [sflag:$0x5], $0x80, s31, s23, $0xb8;
	[tilespmem:$0x1F880] =	vst v63  }
0x60: {  	_ =	swait.ge [sflag:s0], $0x1C00  }
0x61: {  	[sflag:s0] =	ssyncset.done $0x0  }
0x62: {  	s13 =	simm.s32 $0x14380;
	[sflag:s0] =	ssyncadd.s32 $0xFFFFE400  }
0x63: {  	[tilespmem:s29], [sflag:$0x3] =	stream.indirect.gather [spmem:s1], $0x80, s13, s23, $0xb8;
	[tilespmem:$0x1F880] =	vst v63  }
0x64: {  	_ =	swait.ge [sflag:s30], $0x1C00  }
0x65: {  	[sflag:s30] =	ssyncset.done $0x0  }
0x66: {  	s25 =	simm.s32 $0x16700;
	[sflag:s30] =	ssyncadd.s32 $0xFFFFE400  }
0x67: {  	[spmem:s3] =	stream.indirect.scatter.add.f32 [tilespmem:s20], [sflag:$0x6], $0x80, s25, s23, $0xb8;
	[tilespmem:$0x1F880] =	vst v63  }
0x68: {  	_ =	swait.ge [sflag:s12], $0x1C00  }
0x69: {  	[sflag:s12] =	ssyncset.done $0x0  }
0x6a: {  	s31 =	simm.s32 $0x14400;
	[sflag:s12] =	ssyncadd.s32 $0xFFFFE400  }
0x6b: {  	[tilespmem:s2], [sflag:$0x4] =	stream.indirect.gather [spmem:s1], $0x80, s31, s23, $0xb8;
	[tilespmem:$0x1F880] =	vst v63  }
0x6c: {  	_ =	swait.ge [sflag:s6], $0x1C00  }
0x6d: {  	[sflag:s6] =	ssyncset.done $0x0  }
0x6e: {  	s13 =	simm.s32 $0x16780;
	[sflag:s6] =	ssyncadd.s32 $0xFFFFE400  }
0x6f: {  	[spmem:s3] =	stream.indirect.scatter.add.f32 [tilespmem:s29], [sflag:$0x7], $0x80, s13, s23, $0xb8;
	[tilespmem:$0x1F880] =	vst v63  }
0x70: {  	_ =	swait.ge [sflag:s14], $0x1C00  }
0x71: {  	[sflag:s14] =	ssyncset.done $0x0  }
0x72: {  	s25 =	simm.s32 $0x14480;
	[sflag:s14] =	ssyncadd.s32 $0xFFFFE400  }
0x73: {  	[tilespmem:s24], [sflag:$0x1] =	stream.indirect.gather [spmem:s1], $0x80, s25, s23, $0xb8;
	[tilespmem:$0x1F880] =	vst v63  }
0x74: {  	_ =	swait.ge [sflag:s16], $0x1C00  }
0x75: {  	[sflag:s16] =	ssyncset.done $0x0  }
0x76: {  	s31 =	simm.s32 $0x16800;
	[sflag:s16] =	ssyncadd.s32 $0xFFFFE400  }
0x77: {  	[spmem:s3] =	stream.indirect.scatter.add.f32 [tilespmem:s2], [sflag:$0x8], $0x80, s31, s23, $0xb8;
	[tilespmem:$0x1F880] =	vst v63  }
0x78: {  	_ =	swait.ge [sflag:s28], $0x1C00  }
0x79: {  	[sflag:s28] =	ssyncset.done $0x0  }
0x7a: {  	s15 =	simm.s32 $0x800;
	s25 =	simm.s32 $0x14500;
	[sflag:s28] =	ssyncadd.s32 $0xFFFFE400  }
.LBB2_2:
0x7b: {  	[tilespmem:s20], [sflag:$0x2] =	stream.indirect.gather [spmem:s1], $0x80, s25, s23, $0xb8;
	[tilespmem:$0x1F880] =	vst v63  }
0x7c: {  	s25 =	smov.u32 s15  }
0x7d: {  	p1 =	sne.s32 s15, $0x7800;
	s15 =	sadd.s32 $0x800, s15;
	_ =	swait.ge [sflag:s26], $0x1C00  }
0x7e: {  	s25 =	sshra.s32 s25, $0x2;
	[sflag:s26] =	ssyncset.done $0x0  }
0x7f: {  	s31 =	sadd.s32 $0x16680, s25;
	[sflag:s26] =	ssyncadd.s32 $0xFFFFE400  }
0x80: {  	[spmem:s3] =	stream.indirect.scatter.add.f32 [tilespmem:s24], [sflag:$0x5], $0x80, s31, s23, $0xb8;
	[tilespmem:$0x1F880] =	vst v63  }
0x81: {  	_ =	swait.ge [sflag:s0], $0x1C00  }
0x82: {  	[sflag:s0] =	ssyncset.done $0x0  }
0x83: {  	s31 =	sadd.s32 $0x14380, s25;
	[sflag:s0] =	ssyncadd.s32 $0xFFFFE400  }
0x84: {  	[tilespmem:s29], [sflag:$0x3] =	stream.indirect.gather [spmem:s1], $0x80, s31, s23, $0xb8;
	[tilespmem:$0x1F880] =	vst v63  }
0x85: {  	_ =	swait.ge [sflag:s30], $0x1C00  }
0x86: {  	[sflag:s30] =	ssyncset.done $0x0  }
0x87: {  	s31 =	sadd.s32 $0x16700, s25;
	[sflag:s30] =	ssyncadd.s32 $0xFFFFE400  }
0x88: {  	[spmem:s3] =	stream.indirect.scatter.add.f32 [tilespmem:s20], [sflag:$0x6], $0x80, s31, s23, $0xb8;
	[tilespmem:$0x1F880] =	vst v63  }
0x89: {  	_ =	swait.ge [sflag:s12], $0x1C00  }
0x8a: {  	[sflag:s12] =	ssyncset.done $0x0  }
0x8b: {  	s31 =	sadd.s32 $0x14400, s25;
	[sflag:s12] =	ssyncadd.s32 $0xFFFFE400  }
0x8c: {  	[tilespmem:s2], [sflag:$0x4] =	stream.indirect.gather [spmem:s1], $0x80, s31, s23, $0xb8;
	[tilespmem:$0x1F880] =	vst v63  }
0x8d: {  	_ =	swait.ge [sflag:s6], $0x1C00  }
0x8e: {  	[sflag:s6] =	ssyncset.done $0x0  }
0x8f: {  	s31 =	sadd.s32 $0x16780, s25;
	[sflag:s6] =	ssyncadd.s32 $0xFFFFE400  }
0x90: {  	[spmem:s3] =	stream.indirect.scatter.add.f32 [tilespmem:s29], [sflag:$0x7], $0x80, s31, s23, $0xb8;
	[tilespmem:$0x1F880] =	vst v63  }
0x91: {  	_ =	swait.ge [sflag:s14], $0x1C00  }
0x92: {  	[sflag:s14] =	ssyncset.done $0x0  }
0x93: {  	s31 =	sadd.s32 $0x14480, s25;
	[sflag:s14] =	ssyncadd.s32 $0xFFFFE400  }
0x94: {  	[tilespmem:s24], [sflag:$0x1] =	stream.indirect.gather [spmem:s1], $0x80, s31, s23, $0xb8;
	[tilespmem:$0x1F880] =	vst v63  }
0x95: {  	_ =	swait.ge [sflag:s16], $0x1C00  }
0x96: {  	[sflag:s16] =	ssyncset.done $0x0  }
.Ltmp0:
0x97: {  	s31 =	sadd.s32 $0x16800, s25;
	[sflag:s16] =	ssyncadd.s32 $0xFFFFE400;
	(pc) =	sbr.rel @p1 .LBB2_2-.Ltmp0, $4  }
0x98: {  	[spmem:s3] =	stream.indirect.scatter.add.f32 [tilespmem:s2], [sflag:$0x8], $0x80, s31, s23, $0xb8;
	[tilespmem:$0x1F880] =	vst v63  }
0x99: {  	_ =	swait.ge [sflag:s28], $0x1C00  }
0x9a: {  	[sflag:s28] =	ssyncset.done $0x0  }
0x9b: {  	s25 =	sadd.s32 $0x14500, s25;
	[sflag:s28] =	ssyncadd.s32 $0xFFFFE400  }
0x9c: {  	[tilespmem:s20], [sflag:$0x2] =	stream.indirect.gather [spmem:s1], $0x80, s25, s23, $0xb8;
	[tilespmem:$0x1F880] =	vst v63  }
0x9d: {  	_ =	swait.ge [sflag:s26], $0x1C00  }
0x9e: {  	[sflag:s26] =	ssyncset.done $0x0  }
0x9f: {  	s13 =	simm.s32 $0x18680;
	[sflag:s26] =	ssyncadd.s32 $0xFFFFE400  }
0xa0: {  	[spmem:s3] =	stream.indirect.scatter.add.f32 [tilespmem:s24], [sflag:$0x5], $0x80, s13, s23, $0xb8;
	[tilespmem:$0x1F880] =	vst v63  }
0xa1: {  	_ =	swait.ge [sflag:s0], $0x1C00  }
0xa2: {  	[sflag:s0] =	ssyncset.done $0x0  }
0xa3: {  	s15 =	simm.s32 $0x16380;
	[sflag:s0] =	ssyncadd.s32 $0xFFFFE400  }
0xa4: {  	[tilespmem:s29], [sflag:$0x3] =	stream.indirect.gather [spmem:s1], $0x80, s15, s23, $0xb8;
	[tilespmem:$0x1F880] =	vst v63  }
0xa5: {  	_ =	swait.ge [sflag:s30], $0x1C00  }
0xa6: {  	[sflag:s30] =	ssyncset.done $0x0  }
0xa7: {  	s25 =	simm.s32 $0x18700;
	[sflag:s30] =	ssyncadd.s32 $0xFFFFE400  }
0xa8: {  	[spmem:s3] =	stream.indirect.scatter.add.f32 [tilespmem:s20], [sflag:$0x6], $0x80, s25, s23, $0xb8;
	[tilespmem:$0x1F880] =	vst v63  }
0xa9: {  	_ =	swait.ge [sflag:s12], $0x1C00  }
0xaa: {  	[sflag:s12] =	ssyncset.done $0x0  }
0xab: {  	s15 =	simm.s32 $0x16400;
	[sflag:s12] =	ssyncadd.s32 $0xFFFFE400  }
0xac: {  	[tilespmem:s2], [sflag:$0x4] =	stream.indirect.gather [spmem:s1], $0x80, s15, s23, $0xb8;
	[tilespmem:$0x1F880] =	vst v63  }
0xad: {  	_ =	swait.ge [sflag:s6], $0x1C00  }
0xae: {  	[sflag:s6] =	ssyncset.done $0x0  }
0xaf: {  	s25 =	simm.s32 $0x18780;
	[sflag:s6] =	ssyncadd.s32 $0xFFFFE400  }
0xb0: {  	[spmem:s3] =	stream.indirect.scatter.add.f32 [tilespmem:s29], [sflag:$0x7], $0x80, s25, s23, $0xb8;
	[tilespmem:$0x1F880] =	vst v63  }
0xb1: {  	_ =	swait.ge [sflag:s16], $0x1C00  }
0xb2: {  	[sflag:s16] =	ssyncset.done $0x0  }
0xb3: {  	s15 =	simm.s32 $0x18800;
	[sflag:s16] =	ssyncadd.s32 $0xFFFFE400  }
0xb4: {  	[spmem:s3] =	stream.indirect.scatter.add.f32 [tilespmem:s2], [sflag:$0x8], $0x80, s15, s23, $0xb8;
	[tilespmem:$0x1F880] =	vst v63  }
0xb5: {  	_ =	swait.ge [sflag:s14], $0x1C00  }
0xb6: {  	[sflag:s14] =	ssyncset.done $0x0  }
0xb7: {  	[sflag:s14] =	ssyncadd.s32 $0xFFFFE400  }
0xb8: {  	_ =	swait.ge [sflag:s28], $0x1C00  }
0xb9: {  	[sflag:s28] =	ssyncset.done $0x0  }
0xba: {  	[sflag:s28] =	ssyncadd.s32 $0xFFFFE400  }
0xbb: {  	_ =	swait.ge [sflag:s0], $0x1C00  }
0xbc: {  	[sflag:s0] =	ssyncset.done $0x0  }
0xbd: {  	[sflag:s0] =	ssyncadd.s32 $0xFFFFE400  }
0xbe: {  	_ =	swait.ge [sflag:s12], $0x1C00  }
0xbf: {  	[sflag:s12] =	ssyncset.done $0x0  }
0xc0: {  	[sflag:s12] =	ssyncadd.s32 $0xFFFFE400  }
0xc1: {  	[bflag:$0x0] =	sbarrier.arrive $0xFFFF  }
0xc2: {  	s15 =	sshrl.u32 s7, $0x3;
	s25 =	rddreg [dreg:$0x9]  }
0xc3: {  	[hbm:s25], [sflag:s21] =	dma.local [spmem:s15], $0x800  }
0xc4: {  	_ =	swait.ge [sflag:s18], $0x800  }
0xc5: {  	[sflag:s18] =	ssyncset.done $0x0  }
0xc6: {  	[sflag:s18] =	ssyncadd.s32 $0xFFFFF800  }
0xc7: {  	[tilespmem:s20], [sflag:$0x9] =	stream.linear.gather [hbm4b:s5+s4], $0x1C00, $0x38;
	[tilespmem:$0x1F880] =	vst v63  }
0xc8: {  	_ =	swait.ge [sflag:s18], $0x1C00  }
0xc9: {  	[sflag:s18] =	ssyncset.done $0x0  }
0xca: {  	[sflag:s18] =	ssyncadd.s32 $0xFFFFE400  }
0xcb: {  	[spmem:s7] =	stream.linear.scatter [tilespmem:s20], [sflag:$0x9], $0x1C00, $0x38;
	[tilespmem:$0x1F880] =	vst v63  }
0xcc: {  	_ =	swait.ge [sflag:s18], $0x1C00  }
0xcd: {  	[sflag:s18] =	ssyncset.done $0x0  }
0xce: {  	[sflag:s18] =	ssyncadd.s32 $0xFFFFE400  }
0xcf: {  	[spmem:s9] =	stream.linear.scatter [tilespmem:s20], [sflag:$0x9], $0x1C00, $0x38;
	[tilespmem:$0x1F880] =	vst v63  }
0xd0: {  	_ =	swait.ge [sflag:s18], $0x1C00  }
0xd1: {  	[sflag:s18] =	ssyncset.done $0x0  }
0xd2: {  	[sflag:s18] =	ssyncadd.s32 $0xFFFFE400  }
0xd3: {  	[spmem:s10] =	stream.linear.scatter [tilespmem:s20], [sflag:$0x9], $0x800, $0x38;
	[tilespmem:$0x1F880] =	vst v63  }
0xd4: {  	_ =	swait.ge [sflag:s18], $0x800  }
0xd5: {  	[sflag:s18] =	ssyncset.done $0x0  }
0xd6: {  	s25 =	simm.s32 @!p0 $0x1A480;
	[sflag:s18] =	ssyncadd.s32 $0xFFFFF800  }
0xd7: {  	[spmem:s11] =	stream.linear.scatter @!p0 [tilespmem:s25], [sflag:$0x9], $0x800, $0x38;
	[tilespmem:$0x1F880] =	vst v63  }
0xd8: {  	s25 =	simm.s32 @!p0 $0x9  }
0xd9: {  	_ =	swait.ge @!p0 [sflag:s25], $0x800  }
0xda: {  	[sflag:s25] =	ssyncset.done @!p0 $0x0  }
0xdb: {  	[sflag:s25] =	ssyncadd.s32 @!p0 $0xFFFFF800;
	s25 =	rddreg [dreg:$0xa]  }
0xdc: {  	[spmem:s22], [sflag:s21] =	dma.local [hbm:s25], $0x2000  }
0xdd: {  	_ =	swait.ge [sflag:s18], $0x2000  }
0xde: {  	[sflag:s18] =	ssyncset.done $0x0  }
0xdf: {  	[sflag:s18] =	ssyncadd.s32 $0xFFFFE000  }
0xe0: {  	[bflag:$0x0] =	sbarrier.arrive $0xFFFF  }
0xe1: {  	[tilespmem:s24], [sflag:$0x1] =	stream.indirect.gather [spmem:s1], $0x80, s17, s23, $0xb8;
	[tilespmem:$0x1F880] =	vst v63  }
0xe2: {  	s25 =	simm.s32 $0x14100  }
0xe3: {  	[tilespmem:s20], [sflag:$0x2] =	stream.indirect.gather [spmem:s1], $0x80, s25, s23, $0xb8;
	[tilespmem:$0x1F880] =	vst v63  }
0xe4: {  	_ =	swait.ge [sflag:s26], $0x1C00  }
0xe5: {  	[sflag:s26] =	ssyncset.done $0x0  }
0xe6: {  	[sflag:s26] =	ssyncadd.s32 $0xFFFFE400  }
0xe7: {  	[spmem:s3] =	stream.indirect.scatter.add.f32 [tilespmem:s24], [sflag:$0x5], $0x80, s19, s23, $0xb8;
	[tilespmem:$0x1F880] =	vst v63  }
0xe8: {  	s25 =	simm.s32 $0x14180  }
0xe9: {  	[tilespmem:s29], [sflag:$0x3] =	stream.indirect.gather [spmem:s1], $0x80, s25, s23, $0xb8;
	[tilespmem:$0x1F880] =	vst v63  }
0xea: {  	_ =	swait.ge [sflag:s30], $0x1C00  }
0xeb: {  	[sflag:s30] =	ssyncset.done $0x0  }
0xec: {  	s25 =	simm.s32 $0x16500;
	[sflag:s30] =	ssyncadd.s32 $0xFFFFE400  }
0xed: {  	[spmem:s3] =	stream.indirect.scatter.add.f32 [tilespmem:s20], [sflag:$0x6], $0x80, s25, s23, $0xb8;
	[tilespmem:$0x1F880] =	vst v63  }
0xee: {  	s25 =	simm.s32 $0x14200  }
0xef: {  	[tilespmem:s2], [sflag:$0x4] =	stream.indirect.gather [spmem:s1], $0x80, s25, s23, $0xb8;
	[tilespmem:$0x1F880] =	vst v63  }
0xf0: {  	_ =	swait.ge [sflag:s6], $0x1C00  }
0xf1: {  	[sflag:s6] =	ssyncset.done $0x0  }
0xf2: {  	s25 =	simm.s32 $0x16580;
	[sflag:s6] =	ssyncadd.s32 $0xFFFFE400  }
0xf3: {  	[spmem:s3] =	stream.indirect.scatter.add.f32 [tilespmem:s29], [sflag:$0x7], $0x80, s25, s23, $0xb8;
	[tilespmem:$0x1F880] =	vst v63  }
0xf4: {  	_ =	swait.ge [sflag:s14], $0x1C00  }
0xf5: {  	[sflag:s14] =	ssyncset.done $0x0  }
0xf6: {  	s25 =	simm.s32 $0x14280;
	[sflag:s14] =	ssyncadd.s32 $0xFFFFE400  }
0xf7: {  	[tilespmem:s24], [sflag:$0x1] =	stream.indirect.gather [spmem:s1], $0x80, s25, s23, $0xb8;
	[tilespmem:$0x1F880] =	vst v63  }
0xf8: {  	_ =	swait.ge [sflag:s16], $0x1C00  }
0xf9: {  	[sflag:s16] =	ssyncset.done $0x0  }
0xfa: {  	s25 =	simm.s32 $0x16600;
	[sflag:s16] =	ssyncadd.s32 $0xFFFFE400  }
0xfb: {  	[spmem:s3] =	stream.indirect.scatter.add.f32 [tilespmem:s2], [sflag:$0x8], $0x80, s25, s23, $0xb8;
	[tilespmem:$0x1F880] =	vst v63  }
0xfc: {  	_ =	swait.ge [sflag:s28], $0x1C00  }
0xfd: {  	[sflag:s28] =	ssyncset.done $0x0  }
0xfe: {  	s25 =	simm.s32 $0x14300;
	[sflag:s28] =	ssyncadd.s32 $0xFFFFE400  }
0xff: {  	[tilespmem:s20], [sflag:$0x2] =	stream.indirect.gather [spmem:s1], $0x80, s25, s23, $0xb8;
	[tilespmem:$0x1F880] =	vst v63  }
0x100: {  	_ =	swait.ge [sflag:s26], $0x1C00  }
0x101: {  	[sflag:s26] =	ssyncset.done $0x0  }
0x102: {  	s13 =	simm.s32 $0x16680;
	[sflag:s26] =	ssyncadd.s32 $0xFFFFE400  }
0x103: {  	[spmem:s3] =	stream.indirect.scatter.add.f32 [tilespmem:s24], [sflag:$0x5], $0x80, s13, s23, $0xb8;
	[tilespmem:$0x1F880] =	vst v63  }
0x104: {  	_ =	swait.ge [sflag:s0], $0x1C00  }
0x105: {  	[sflag:s0] =	ssyncset.done $0x0  }
0x106: {  	s13 =	simm.s32 $0x14380;
	[sflag:s0] =	ssyncadd.s32 $0xFFFFE400  }
0x107: {  	[tilespmem:s29], [sflag:$0x3] =	stream.indirect.gather [spmem:s1], $0x80, s13, s23, $0xb8;
	[tilespmem:$0x1F880] =	vst v63  }
0x108: {  	_ =	swait.ge [sflag:s30], $0x1C00  }
0x109: {  	[sflag:s30] =	ssyncset.done $0x0  }
0x10a: {  	s13 =	simm.s32 $0x16700;
	[sflag:s30] =	ssyncadd.s32 $0xFFFFE400  }
0x10b: {  	[spmem:s3] =	stream.indirect.scatter.add.f32 [tilespmem:s20], [sflag:$0x6], $0x80, s13, s23, $0xb8;
	[tilespmem:$0x1F880] =	vst v63  }
0x10c: {  	_ =	swait.ge [sflag:s12], $0x1C00  }
0x10d: {  	[sflag:s12] =	ssyncset.done $0x0  }
0x10e: {  	s13 =	simm.s32 $0x14400;
	[sflag:s12] =	ssyncadd.s32 $0xFFFFE400  }
0x10f: {  	[tilespmem:s2], [sflag:$0x4] =	stream.indirect.gather [spmem:s1], $0x80, s13, s23, $0xb8;
	[tilespmem:$0x1F880] =	vst v63  }
0x110: {  	_ =	swait.ge [sflag:s6], $0x1C00  }
0x111: {  	[sflag:s6] =	ssyncset.done $0x0  }
0x112: {  	s13 =	simm.s32 $0x16780;
	[sflag:s6] =	ssyncadd.s32 $0xFFFFE400  }
0x113: {  	[spmem:s3] =	stream.indirect.scatter.add.f32 [tilespmem:s29], [sflag:$0x7], $0x80, s13, s23, $0xb8;
	[tilespmem:$0x1F880] =	vst v63  }
0x114: {  	_ =	swait.ge [sflag:s14], $0x1C00  }
0x115: {  	[sflag:s14] =	ssyncset.done $0x0  }
0x116: {  	s13 =	simm.s32 $0x14480;
	[sflag:s14] =	ssyncadd.s32 $0xFFFFE400  }
0x117: {  	[tilespmem:s24], [sflag:$0x1] =	stream.indirect.gather [spmem:s1], $0x80, s13, s23, $0xb8;
	[tilespmem:$0x1F880] =	vst v63  }
0x118: {  	_ =	swait.ge [sflag:s16], $0x1C00  }
0x119: {  	[sflag:s16] =	ssyncset.done $0x0  }
0x11a: {  	s13 =	simm.s32 $0x16800;
	[sflag:s16] =	ssyncadd.s32 $0xFFFFE400  }
0x11b: {  	[spmem:s3] =	stream.indirect.scatter.add.f32 [tilespmem:s2], [sflag:$0x8], $0x80, s13, s23, $0xb8;
	[tilespmem:$0x1F880] =	vst v63  }
0x11c: {  	_ =	swait.ge [sflag:s28], $0x1C00  }
0x11d: {  	[sflag:s28] =	ssyncset.done $0x0  }
0x11e: {  	s31 =	simm.s32 $0x14500;
	s25 =	simm.s32 $0x800;
	[sflag:s28] =	ssyncadd.s32 $0xFFFFE400  }
.LBB2_4:
0x11f: {  	[tilespmem:s20], [sflag:$0x2] =	stream.indirect.gather [spmem:s1], $0x80, s31, s23, $0xb8;
	[tilespmem:$0x1F880] =	vst v63  }
0x120: {  	s31 =	smov.u32 s25  }
0x121: {  	p1 =	sne.s32 s25, $0x7800;
	s25 =	sadd.s32 $0x800, s25;
	_ =	swait.ge [sflag:s26], $0x1C00  }
0x122: {  	s31 =	sshra.s32 s31, $0x2;
	[sflag:s26] =	ssyncset.done $0x0  }
0x123: {  	s13 =	sadd.s32 $0x16680, s31;
	[sflag:s26] =	ssyncadd.s32 $0xFFFFE400  }
0x124: {  	[spmem:s3] =	stream.indirect.scatter.add.f32 [tilespmem:s24], [sflag:$0x5], $0x80, s13, s23, $0xb8;
	[tilespmem:$0x1F880] =	vst v63  }
0x125: {  	_ =	swait.ge [sflag:s0], $0x1C00  }
0x126: {  	[sflag:s0] =	ssyncset.done $0x0  }
0x127: {  	s13 =	sadd.s32 $0x14380, s31;
	[sflag:s0] =	ssyncadd.s32 $0xFFFFE400  }
0x128: {  	[tilespmem:s29], [sflag:$0x3] =	stream.indirect.gather [spmem:s1], $0x80, s13, s23, $0xb8;
	[tilespmem:$0x1F880] =	vst v63  }
0x129: {  	_ =	swait.ge [sflag:s30], $0x1C00  }
0x12a: {  	[sflag:s30] =	ssyncset.done $0x0  }
0x12b: {  	s13 =	sadd.s32 $0x16700, s31;
	[sflag:s30] =	ssyncadd.s32 $0xFFFFE400  }
0x12c: {  	[spmem:s3] =	stream.indirect.scatter.add.f32 [tilespmem:s20], [sflag:$0x6], $0x80, s13, s23, $0xb8;
	[tilespmem:$0x1F880] =	vst v63  }
0x12d: {  	_ =	swait.ge [sflag:s12], $0x1C00  }
0x12e: {  	[sflag:s12] =	ssyncset.done $0x0  }
0x12f: {  	s13 =	sadd.s32 $0x14400, s31;
	[sflag:s12] =	ssyncadd.s32 $0xFFFFE400  }
0x130: {  	[tilespmem:s2], [sflag:$0x4] =	stream.indirect.gather [spmem:s1], $0x80, s13, s23, $0xb8;
	[tilespmem:$0x1F880] =	vst v63  }
0x131: {  	_ =	swait.ge [sflag:s6], $0x1C00  }
0x132: {  	[sflag:s6] =	ssyncset.done $0x0  }
0x133: {  	s13 =	sadd.s32 $0x16780, s31;
	[sflag:s6] =	ssyncadd.s32 $0xFFFFE400  }
0x134: {  	[spmem:s3] =	stream.indirect.scatter.add.f32 [tilespmem:s29], [sflag:$0x7], $0x80, s13, s23, $0xb8;
	[tilespmem:$0x1F880] =	vst v63  }
0x135: {  	_ =	swait.ge [sflag:s14], $0x1C00  }
0x136: {  	[sflag:s14] =	ssyncset.done $0x0  }
0x137: {  	s13 =	sadd.s32 $0x14480, s31;
	[sflag:s14] =	ssyncadd.s32 $0xFFFFE400  }
0x138: {  	[tilespmem:s24], [sflag:$0x1] =	stream.indirect.gather [spmem:s1], $0x80, s13, s23, $0xb8;
	[tilespmem:$0x1F880] =	vst v63  }
0x139: {  	_ =	swait.ge [sflag:s16], $0x1C00  }
0x13a: {  	[sflag:s16] =	ssyncset.done $0x0  }
.Ltmp1:
0x13b: {  	s13 =	sadd.s32 $0x16800, s31;
	[sflag:s16] =	ssyncadd.s32 $0xFFFFE400;
	(pc) =	sbr.rel @p1 .LBB2_4-.Ltmp1, $4  }
0x13c: {  	[spmem:s3] =	stream.indirect.scatter.add.f32 [tilespmem:s2], [sflag:$0x8], $0x80, s13, s23, $0xb8;
	[tilespmem:$0x1F880] =	vst v63  }
0x13d: {  	_ =	swait.ge [sflag:s28], $0x1C00  }
0x13e: {  	[sflag:s28] =	ssyncset.done $0x0  }
0x13f: {  	s31 =	sadd.s32 $0x14500, s31;
	[sflag:s28] =	ssyncadd.s32 $0xFFFFE400  }
0x140: {  	[tilespmem:s20], [sflag:$0x2] =	stream.indirect.gather [spmem:s1], $0x80, s31, s23, $0xb8;
	[tilespmem:$0x1F880] =	vst v63  }
0x141: {  	_ =	swait.ge [sflag:s26], $0x1C00  }
0x142: {  	[sflag:s26] =	ssyncset.done $0x0  }
0x143: {  	s13 =	simm.s32 $0x18680;
	[sflag:s26] =	ssyncadd.s32 $0xFFFFE400  }
0x144: {  	[spmem:s3] =	stream.indirect.scatter.add.f32 [tilespmem:s24], [sflag:$0x5], $0x80, s13, s23, $0xb8;
	[tilespmem:$0x1F880] =	vst v63  }
0x145: {  	_ =	swait.ge [sflag:s0], $0x1C00  }
0x146: {  	[sflag:s0] =	ssyncset.done $0x0  }
0x147: {  	s31 =	simm.s32 $0x16380;
	[sflag:s0] =	ssyncadd.s32 $0xFFFFE400  }
0x148: {  	[tilespmem:s29], [sflag:$0x3] =	stream.indirect.gather [spmem:s1], $0x80, s31, s23, $0xb8;
	[tilespmem:$0x1F880] =	vst v63  }
0x149: {  	_ =	swait.ge [sflag:s30], $0x1C00  }
0x14a: {  	[sflag:s30] =	ssyncset.done $0x0  }
0x14b: {  	s25 =	simm.s32 $0x18700;
	[sflag:s30] =	ssyncadd.s32 $0xFFFFE400  }
0x14c: {  	[spmem:s3] =	stream.indirect.scatter.add.f32 [tilespmem:s20], [sflag:$0x6], $0x80, s25, s23, $0xb8;
	[tilespmem:$0x1F880] =	vst v63  }
0x14d: {  	_ =	swait.ge [sflag:s12], $0x1C00  }
0x14e: {  	[sflag:s12] =	ssyncset.done $0x0  }
0x14f: {  	s31 =	simm.s32 $0x16400;
	[sflag:s12] =	ssyncadd.s32 $0xFFFFE400  }
0x150: {  	[tilespmem:s2], [sflag:$0x4] =	stream.indirect.gather [spmem:s1], $0x80, s31, s23, $0xb8;
	[tilespmem:$0x1F880] =	vst v63  }
0x151: {  	_ =	swait.ge [sflag:s6], $0x1C00  }
0x152: {  	[sflag:s6] =	ssyncset.done $0x0  }
0x153: {  	s25 =	simm.s32 $0x18780;
	[sflag:s6] =	ssyncadd.s32 $0xFFFFE400  }
0x154: {  	[spmem:s3] =	stream.indirect.scatter.add.f32 [tilespmem:s29], [sflag:$0x7], $0x80, s25, s23, $0xb8;
	[tilespmem:$0x1F880] =	vst v63  }
0x155: {  	_ =	swait.ge [sflag:s16], $0x1C00  }
0x156: {  	[sflag:s16] =	ssyncset.done $0x0  }
0x157: {  	s31 =	simm.s32 $0x18800;
	[sflag:s16] =	ssyncadd.s32 $0xFFFFE400  }
0x158: {  	[spmem:s3] =	stream.indirect.scatter.add.f32 [tilespmem:s2], [sflag:$0x8], $0x80, s31, s23, $0xb8;
	[tilespmem:$0x1F880] =	vst v63  }
0x159: {  	_ =	swait.ge [sflag:s14], $0x1C00  }
0x15a: {  	[sflag:s14] =	ssyncset.done $0x0  }
0x15b: {  	[sflag:s14] =	ssyncadd.s32 $0xFFFFE400  }
0x15c: {  	_ =	swait.ge [sflag:s28], $0x1C00  }
0x15d: {  	[sflag:s28] =	ssyncset.done $0x0  }
0x15e: {  	[sflag:s28] =	ssyncadd.s32 $0xFFFFE400  }
0x15f: {  	_ =	swait.ge [sflag:s0], $0x1C00  }
0x160: {  	[sflag:s0] =	ssyncset.done $0x0  }
0x161: {  	[sflag:s0] =	ssyncadd.s32 $0xFFFFE400  }
0x162: {  	_ =	swait.ge [sflag:s12], $0x1C00  }
0x163: {  	[sflag:s12] =	ssyncset.done $0x0  }
0x164: {  	[sflag:s12] =	ssyncadd.s32 $0xFFFFE400  }
0x165: {  	[bflag:$0x0] =	sbarrier.arrive $0xFFFF  }
0x166: {  	s25 =	rddreg [dreg:$0xb]  }
0x167: {  	[hbm:s25], [sflag:s21] =	dma.local [spmem:s15], $0x800  }
0x168: {  	_ =	swait.ge [sflag:s18], $0x800  }
0x169: {  	s8 =	sadd.s32 $0x1, s8;
	s31 =	rddreg [dreg:$0xc]  }
0x16a: {  	p1 =	sne.s32 s8, s31  }
.Ltmp2:
0x16b: {  	_ = 	snop;
	(pc) =	sbr.rel @p1 .LBB2_1-.Ltmp2, $3  }
0x16c: {  	_ =	sdelay $0x1  }
0x16d: {  	[sflag:s18] =	ssyncset.done $0x0  }
0x16e: {  	[sflag:s18] =	ssyncadd.s32 $0xFFFFF800  }
0x16f: {  	_ =	sfence.sel $0x180000  }
0x170: {  	[bflag:$0x0] =	sbarrier.arrive $0xFFFF  }
0x171: {  	_ =	strace $0x90000047  }
0x172: {  	s0 =	stileid.u32;
	[bflag:$0x2] =	sbarrier.arrive $0xFFFF  }
0x173: {  	p0 =	sne.s32 s0, $0x0;
	s0 =	rddreg [dreg:$0x5]  }
0x174: {  	s0 =	sadd.s32 @!p0 $0x100000, s0  }
0x175: {  	[sflag:s0] =	ssyncadd.tile.s32 @!p0 $0x1;
	_ =	shalt  }
.Lfunc_end2:
_tile_overlayer_lowered:
.L_overlay_start_2:
0x176: {  	(tag) =	ssettag $0x2  }
0x177: {  	s0 =	rddreg [dreg:$0x0];
	s2 =	stileid.u32  }
0x178: {  	s1 =	rddreg [dreg:$0x1];
	p0 =	sne.s32 s2, $0x0  }
0x179: {  	s3 =	rddreg [dreg:$0x2];
	[bflag:$0x3] =	sbarrier.arrive $0xFFFF;
	s2 =	simm.s32 @!p0 $0x1C09  }
0x17a: {  	[timem:s3], [sflag:s2] =	dma.local @!p0 [hbm:s0], s1  }
0x17b: {  	s0 =	simm.s32 @!p0 $0x9  }
0x17c: {  	_ =	swait.ge @!p0 [sflag:s0], s1  }
0x17d: {  	s1 =	ssub.s32 @!p0 $0x0, s1;
	[sflag:s0] =	ssyncset.done @!p0 $0x0  }
0x17e: {  	[sflag:s0] =	ssyncadd.s32 @!p0 s1  }
0x17f: {  	[bflag:$0x3] =	sbarrier.arrive $0xFFFF  }
0x180: {  	_ =	shalt  }

</sc_bundles>
